<compile_context>
chip_gen: v7x
topology: tpu7x:2x2x1
jax: 0.10.2.dev20260603
libtpu: 0.0.44.dev20260713+nightly
codegen_flags: <defaults>
</compile_context>

<pallas_src>
import functools

import jax
import jax.numpy as jnp
from jax import lax
from jax.experimental import pallas as pl
from jax.experimental.pallas import tpu as pltpu
from jax.experimental.pallas import tpu_sc as plsc

_N = 10000
_E = 320000
_D = 128

_NC = 2
_NS = 16
_NW = _NC * _NS
_EPW = _E // _NW
_C = 80
_NCHUNK = _EPW // _C
_RPS = 640
_NP = _NS * _RPS
_ZR = 128

_BN = 2000
_BE = 6400


def _silu(t):
    return t / (1.0 + jnp.exp(-t))



def _pre_body(x_ref, wj_ref, bj_ref, wi_ref, bi_ref, u_ref, vm_ref):
    xb = x_ref[...]
    sx = _silu(xb)
    u_ref[...] = _silu(sx @ wj_ref[...] + bj_ref[...])
    vm_ref[...] = _silu(sx @ wi_ref[...] + bi_ref[...])


def _gmat_body(g_ref, wg_ref, bg_ref, o_ref):
    o_ref[...] = g_ref[...] @ wg_ref[...] + bg_ref[...]


def _res_block(h, w1, b1, w2, b2):
    y = _silu(h) @ w1 + b1
    y = _silu(y) @ w2 + b2
    return y + h


def _post_body(n_int, n_atom, n_out, *refs):
    it = iter(refs)
    x_ref, v0_ref, v1_ref, vm_ref, rv_ref = (next(it) for _ in range(5))
    int_w = [tuple(next(it)[...] for _ in range(4)) for _ in range(n_int)]
    wf, bf = next(it)[...], next(it)[...]
    atom_w = [tuple(next(it)[...] for _ in range(4)) for _ in range(n_atom)]
    out_w = [tuple(next(it)[...] for _ in range(4)) for _ in range(n_out)]
    wout, bout = next(it)[...], next(it)[...]
    out_ref, x1_ref = next(it), next(it)

    xb = x_ref[...]
    v = v0_ref[...] + v1_ref[...] + vm_ref[...]
    for w1, b1, w2, b2 in int_w:
        v = _res_block(v, w1, b1, w2, b2)
    v = _silu(v)
    x1 = rv_ref[...] * xb + v @ wf + bf
    for w1, b1, w2, b2 in atom_w:
        x1 = _res_block(x1, w1, b1, w2, b2)
    x1_ref[...] = x1
    h = x1
    for w1, b1, w2, b2 in out_w:
        h = _res_block(h, w1, b1, w2, b2)
    out_ref[...] = _silu(h) @ wout + bout



def _make_sc_kernel(n_nodes):
    mesh = plsc.VectorSubcoreMesh(core_axis_name="c", subcore_axis_name="s")

    @functools.partial(
        pl.kernel,
        mesh=mesh,
        out_type=jax.ShapeDtypeStruct((_NC * _NP, _D), jnp.float32),
        scratch_types=[
            pltpu.VMEM((_C,), jnp.int32),
            pltpu.VMEM((_C,), jnp.int32),
            pltpu.VMEM((_C, _D), jnp.float32),
            pltpu.VMEM((_C, _D), jnp.float32),
            pltpu.VMEM((_ZR, _D), jnp.float32),
            pltpu.VMEM_SHARED((_NP, _D), jnp.float32),
            pltpu.SemaphoreType.DMA,
        ],
    )
    def sc_fn(u_hbm, g_hbm, idxi_hbm, idxj_hbm, out_hbm,
              idxi_v, idxj_v, g_v, u_v, z_v, v_sh, sem):
        cid = lax.axis_index("c")
        sid = lax.axis_index("s")
        w = cid * _NS + sid

        def zrow(r, carry):
            for l in range(_D // 16):
                z_v[r, pl.ds(l * 16, 16)] = jnp.zeros((16,), jnp.float32)
            return carry
        lax.fori_loop(0, _ZR, zrow, 0)
        for j in range(_RPS // _ZR):
            pltpu.sync_copy(z_v, v_sh.at[pl.ds(sid * _RPS + j * _ZR, _ZR)])
        plsc.subcore_barrier()

        def chunk(k, carry):
            base = w * _EPW + k * _C
            pltpu.sync_copy(idxi_hbm.at[pl.ds(base, _C)], idxi_v)
            pltpu.sync_copy(idxj_hbm.at[pl.ds(base, _C)], idxj_v)
            pltpu.async_copy(u_hbm.at[idxj_v], u_v, sem).wait()
            pltpu.sync_copy(g_hbm.at[pl.ds(base, _C)], g_v)

            def mrow(r, c2):
                for l in range(_D // 16):
                    sl = pl.ds(l * 16, 16)
                    u_v[r, sl] = u_v[r, sl] * g_v[r, sl]
                return c2
            lax.fori_loop(0, _C, mrow, 0)
            pltpu.sync_copy(u_v, v_sh.at[idxi_v], add=True)
            return carry
        lax.fori_loop(0, _NCHUNK, chunk, 0)

        plsc.subcore_barrier()
        pltpu.sync_copy(
            v_sh.at[pl.ds(sid * _RPS, _RPS)],
            out_hbm.at[pl.ds(cid * _NP + sid * _RPS, _RPS)])

    return sc_fn



def kernel(x, g_ij, idx_i, idx_j, n_atoms, rand_vec,
           W_g, b_g, W_j, b_j, W_i, b_i,
           int_res_W1, int_res_b1, int_res_W2, int_res_b2,
           W_f, b_f,
           atom_res_W1, atom_res_b1, atom_res_W2, atom_res_b2,
           out_res_W1, out_res_b1, out_res_W2, out_res_b2,
           W_out, b_out):
    n, d = x.shape
    e = g_ij.shape[0]
    r = g_ij.shape[1]
    del n_atoms

    row = lambda v: v.reshape(1, -1)

    u, vm = pl.pallas_call(
        _pre_body,
        grid=(n // _BN,),
        in_specs=[
            pl.BlockSpec((_BN, d), lambda i: (i, 0)),
            pl.BlockSpec((d, d), lambda i: (0, 0)),
            pl.BlockSpec((1, d), lambda i: (0, 0)),
            pl.BlockSpec((d, d), lambda i: (0, 0)),
            pl.BlockSpec((1, d), lambda i: (0, 0)),
        ],
        out_specs=[
            pl.BlockSpec((_BN, d), lambda i: (i, 0)),
            pl.BlockSpec((_BN, d), lambda i: (i, 0)),
        ],
        out_shape=[
            jax.ShapeDtypeStruct((n, d), jnp.float32),
            jax.ShapeDtypeStruct((n, d), jnp.float32),
        ],
    )(x, W_j, row(b_j), W_i, row(b_i))

    G = pl.pallas_call(
        _gmat_body,
        grid=(e // _BE,),
        in_specs=[
            pl.BlockSpec((_BE, r), lambda i: (i, 0)),
            pl.BlockSpec((r, d), lambda i: (0, 0)),
            pl.BlockSpec((1, d), lambda i: (0, 0)),
        ],
        out_specs=pl.BlockSpec((_BE, d), lambda i: (i, 0)),
        out_shape=jax.ShapeDtypeStruct((e, d), jnp.float32),
    )(g_ij, W_g, row(b_g))

    v_parts = _make_sc_kernel(n)(u, G, idx_i, idx_j)
    v0 = v_parts[:n]
    v1 = v_parts[_NP:_NP + n]

    n_int = int_res_W1.shape[0]
    n_atom = atom_res_W1.shape[0]
    n_out = out_res_W1.shape[0]

    mat_spec = pl.BlockSpec((d, d), lambda i: (0, 0))
    bias_spec = pl.BlockSpec((1, d), lambda i: (0, 0))
    blk_spec = pl.BlockSpec((_BN, d), lambda i: (i, 0))

    ops = [x, v0, v1, vm, row(rand_vec)]
    specs = [blk_spec, blk_spec, blk_spec, blk_spec, bias_spec]

    def add_res(W1, b1, W2, b2, k):
        ops.extend([W1[k], row(b1[k]), W2[k], row(b2[k])])
        specs.extend([mat_spec, bias_spec, mat_spec, bias_spec])

    for k in range(n_int):
        add_res(int_res_W1, int_res_b1, int_res_W2, int_res_b2, k)
    ops.extend([W_f, row(b_f)])
    specs.extend([mat_spec, bias_spec])
    for k in range(n_atom):
        add_res(atom_res_W1, atom_res_b1, atom_res_W2, atom_res_b2, k)
    for k in range(n_out):
        add_res(out_res_W1, out_res_b1, out_res_W2, out_res_b2, k)
    ops.extend([W_out, row(b_out)])
    specs.extend([mat_spec, bias_spec])

    out, x1 = pl.pallas_call(
        functools.partial(_post_body, n_int, n_atom, n_out),
        grid=(n // _BN,),
        in_specs=specs,
        out_specs=[blk_spec, blk_spec],
        out_shape=[
            jax.ShapeDtypeStruct((n, d), jnp.float32),
            jax.ShapeDtypeStruct((n, d), jnp.float32),
        ],
    )(*ops)
    return (out, x1)

# --- scband reference (transcript-rebuilt; emitter-appended) ---
"""Pipeline reference for scband-module-10926396801093 (READ-ONLY COPY).

The authoritative reference and input builder live on the scoring server;
editing this copy changes nothing except your own understanding.
"""

import jax, jax.numpy as jnp
import numpy as np

N = 10000
E = 320000
D = 128
R = 32
K_INT = 2
K_ATOM = 1
K_OUT = 1

def _lin(k, fan_in, shape):
    return jax.random.uniform(k, shape, jnp.float32, -1.0, 1.0) / np.sqrt(fan_in)

def setup_inputs(seed: int = 0):
    key = jax.random.key(seed)
    ks = jax.random.split(key, 40)
    inp = {}
    inp["x"] = jax.random.normal(ks[0], (N, D), dtype=jnp.float32)
    inp["g_ij"] = jax.random.uniform(ks[1], (E, R), dtype=jnp.float32)
    inp["idx_i"] = jax.random.randint(ks[2], (E,), 0, N, dtype=jnp.int32)
    inp["idx_j"] = jax.random.randint(ks[3], (E,), 0, N, dtype=jnp.int32)
    inp["n_atoms"] = N
    inp["rand_vec"] = jax.random.uniform(ks[4], (D,), dtype=jnp.float32)
    inp["W_g"] = _lin(ks[5], R, (R, D)); inp["b_g"] = _lin(ks[6], R, (D,))
    inp["W_j"] = _lin(ks[7], D, (D, D)); inp["b_j"] = _lin(ks[8], D, (D,))
    inp["W_i"] = _lin(ks[9], D, (D, D)); inp["b_i"] = _lin(ks[10], D, (D,))
    inp["int_res_W1"] = _lin(ks[11], D, (K_INT, D, D)); inp["int_res_b1"] = _lin(ks[12], D, (K_INT, D))
    inp["int_res_W2"] = _lin(ks[13], D, (K_INT, D, D)); inp["int_res_b2"] = _lin(ks[14], D, (K_INT, D))
    inp["W_f"] = _lin(ks[15], D, (D, D)); inp["b_f"] = _lin(ks[16], D, (D,))
    inp["atom_res_W1"] = _lin(ks[17], D, (K_ATOM, D, D)); inp["atom_res_b1"] = _lin(ks[18], D, (K_ATOM, D))
    inp["atom_res_W2"] = _lin(ks[19], D, (K_ATOM, D, D)); inp["atom_res_b2"] = _lin(ks[20], D, (K_ATOM, D))
    inp["out_res_W1"] = _lin(ks[21], D, (K_OUT, D, D)); inp["out_res_b1"] = _lin(ks[22], D, (K_OUT, D))
    inp["out_res_W2"] = _lin(ks[23], D, (K_OUT, D, D)); inp["out_res_b2"] = _lin(ks[24], D, (K_OUT, D))
    inp["W_out"] = _lin(ks[25], D, (D, D)); inp["b_out"] = _lin(ks[26], D, (D,))
    return inp

def reference(x, g_ij, idx_i, idx_j, n_atoms, rand_vec, W_g, b_g, W_j, b_j, W_i, b_i, int_res_W1, int_res_b1, int_res_W2, int_res_b2, W_f, b_f, atom_res_W1, atom_res_b1, atom_res_W2, atom_res_b2, out_res_W1, out_res_b1, out_res_W2, out_res_b2, W_out, b_out):
    act = jax.nn.silu
    def residual(h, W1, b1, W2, b2):
        y = act(h) @ W1 + b1
        y = act(y) @ W2 + b2
        return y + h
    # PhysNetInteraction
    x_j = jnp.take(x, idx_j, axis=0)
    xp = rand_vec * x  # torch.rand(n_atom_basis) * x, rand vec materialized in setup_inputs
    vp = act(act(x_j) @ W_j + b_j) * (g_ij @ W_g + b_g)
    vm = act(act(x) @ W_i + b_i)
    num_segments = x.shape[0]
    seg_ids = idx_i + (jnp.asarray(n_atoms, idx_i.dtype) - num_segments)
    v = jax.ops.segment_sum(vp, seg_ids, num_segments=num_segments) + vm
    for k in range(int_res_W1.shape[0]):
        v = residual(v, int_res_W1[k], int_res_b1[k], int_res_W2[k], int_res_b2[k])
    v = act(v)
    x1 = xp + v @ W_f + b_f
    # atomic residual stack
    for k in range(atom_res_W1.shape[0]):
        x1 = residual(x1, atom_res_W1[k], atom_res_b1[k], atom_res_W2[k], atom_res_b2[k])
    # Output block
    h = x1
    for k in range(out_res_W1.shape[0]):
        h = residual(h, out_res_W1[k], out_res_b1[k], out_res_W2[k], out_res_b2[k])
    out = act(h) @ W_out + b_out
    return (out, x1)

if __name__ == "__main__":
    import jax
    _d = setup_inputs()
    print(jax.jit(kernel)(*tuple(_d.values())))

</pallas_src>

<mosaic_0001>
#map = affine_map<(d0, d1) -> (0, 0)>
#map1 = affine_map<(d0, d1) -> (0)>
module attributes {stable_mosaic.version = 14 : i64} {
  func.func @sc_fn(%arg0: i32, %arg1: i32, %arg2: memref<10000x128xf32, #tpu.memory_space<hbm>>, %arg3: memref<320000x128xf32, #tpu.memory_space<hbm>>, %arg4: memref<320000xi32, #tpu.memory_space<hbm>>, %arg5: memref<320000xi32, #tpu.memory_space<hbm>>, %arg6: memref<20480x128xf32, #tpu.memory_space<hbm>>, %arg7: memref<80xi32, #tpu.memory_space<vmem>>, %arg8: memref<80xi32, #tpu.memory_space<vmem>>, %arg9: memref<80x128xf32, #tpu.memory_space<vmem>>, %arg10: memref<80x128xf32, #tpu.memory_space<vmem>>, %arg11: memref<128x128xf32, #tpu.memory_space<vmem>>, %arg12: memref<10240x128xf32, #tpu.memory_space<vmem_shared>>, %arg13: memref<!tpu.dma_semaphore, #tpu.memory_space<semaphore_mem>>) attributes {dimension_semantics = [#tpu.dimension_semantics<core_parallel>, #tpu.dimension_semantics<subcore_parallel>], iteration_bounds = array<i64: 2, 16>, scalar_prefetch = 0 : i64, scratch_operands = 7 : i64, tpu.core_type = #tpu.core_type<sc_vector_subcore>, window_params = [{transform_indices = #map}, {transform_indices = #map}, {transform_indices = #map1}, {transform_indices = #map1}, {transform_indices = #map}]} {
    %mul3A = arith.constant 16 : i32
    %mul3A_0 = arith.muli %arg0, %mul3A : i32
    %add3A = arith.addi %mul3A_0, %arg1 : i32
    %scan3A = arith.constant 0 : i32
    %scan3A_1 = arith.constant 0 : i32
    %scan3A_2 = arith.constant 128 : i32
    %scan3A_3 = arith.addi %scan3A_1, %scan3A_2 : i32
    %scan3A_4 = arith.constant 1 : i32
    scf.for %scan3A_40 = %scan3A_1 to %scan3A_3 step %scan3A_4  : i32 {
      %broadcast_in_dim3A = arith.constant 0.000000e+00 : f32
      %broadcast_in_dim3A_41 = vector.broadcast %broadcast_in_dim3A : f32 to vector<16xf32>
      %swap3A = arith.index_cast %scan3A_40 : i32 to index
      %swap3A_42 = arith.constant 0 : index
      %swap3A_43 = tpu.vector_load %arg11[%swap3A, %swap3A_42] {strides = array<i32>} : memref<128x128xf32, #tpu.memory_space<vmem>>, vector<1x16xf32>,
      %swap3A_44 = vector.shape_cast %swap3A_43 : vector<1x16xf32> to vector<16xf32>
      %swap3A_45 = vector.shape_cast %broadcast_in_dim3A_41 : vector<16xf32> to vector<1x16xf32>
      tpu.vector_store %arg11[%swap3A, %swap3A_42], %swap3A_45 {strides = array<i32>} : memref<128x128xf32, #tpu.memory_space<vmem>>, vector<1x16xf32>,
      %broadcast_in_dim3A_46 = arith.constant 0.000000e+00 : f32
      %broadcast_in_dim3A_47 = vector.broadcast %broadcast_in_dim3A_46 : f32 to vector<16xf32>
      %swap3A_48 = arith.index_cast %scan3A_40 : i32 to index
      %swap3A_49 = arith.constant 16 : index
      %swap3A_50 = tpu.vector_load %arg11[%swap3A_48, %swap3A_49] {strides = array<i32>} : memref<128x128xf32, #tpu.memory_space<vmem>>, vector<1x16xf32>,
      %swap3A_51 = vector.shape_cast %swap3A_50 : vector<1x16xf32> to vector<16xf32>
      %swap3A_52 = vector.shape_cast %broadcast_in_dim3A_47 : vector<16xf32> to vector<1x16xf32>
      tpu.vector_store %arg11[%swap3A_48, %swap3A_49], %swap3A_52 {strides = array<i32>} : memref<128x128xf32, #tpu.memory_space<vmem>>, vector<1x16xf32>,
      %broadcast_in_dim3A_53 = arith.constant 0.000000e+00 : f32
      %broadcast_in_dim3A_54 = vector.broadcast %broadcast_in_dim3A_53 : f32 to vector<16xf32>
      %swap3A_55 = arith.index_cast %scan3A_40 : i32 to index
      %swap3A_56 = arith.constant 32 : index
      %swap3A_57 = tpu.vector_load %arg11[%swap3A_55, %swap3A_56] {strides = array<i32>} : memref<128x128xf32, #tpu.memory_space<vmem>>, vector<1x16xf32>,
      %swap3A_58 = vector.shape_cast %swap3A_57 : vector<1x16xf32> to vector<16xf32>
      %swap3A_59 = vector.shape_cast %broadcast_in_dim3A_54 : vector<16xf32> to vector<1x16xf32>
      tpu.vector_store %arg11[%swap3A_55, %swap3A_56], %swap3A_59 {strides = array<i32>} : memref<128x128xf32, #tpu.memory_space<vmem>>, vector<1x16xf32>,
      %broadcast_in_dim3A_60 = arith.constant 0.000000e+00 : f32
      %broadcast_in_dim3A_61 = vector.broadcast %broadcast_in_dim3A_60 : f32 to vector<16xf32>
      %swap3A_62 = arith.index_cast %scan3A_40 : i32 to index
      %swap3A_63 = arith.constant 48 : index
      %swap3A_64 = tpu.vector_load %arg11[%swap3A_62, %swap3A_63] {strides = array<i32>} : memref<128x128xf32, #tpu.memory_space<vmem>>, vector<1x16xf32>,
      %swap3A_65 = vector.shape_cast %swap3A_64 : vector<1x16xf32> to vector<16xf32>
      %swap3A_66 = vector.shape_cast %broadcast_in_dim3A_61 : vector<16xf32> to vector<1x16xf32>
      tpu.vector_store %arg11[%swap3A_62, %swap3A_63], %swap3A_66 {strides = array<i32>} : memref<128x128xf32, #tpu.memory_space<vmem>>, vector<1x16xf32>,
      %broadcast_in_dim3A_67 = arith.constant 0.000000e+00 : f32
      %broadcast_in_dim3A_68 = vector.broadcast %broadcast_in_dim3A_67 : f32 to vector<16xf32>
      %swap3A_69 = arith.index_cast %scan3A_40 : i32 to index
      %swap3A_70 = arith.constant 64 : index
      %swap3A_71 = tpu.vector_load %arg11[%swap3A_69, %swap3A_70] {strides = array<i32>} : memref<128x128xf32, #tpu.memory_space<vmem>>, vector<1x16xf32>,
      %swap3A_72 = vector.shape_cast %swap3A_71 : vector<1x16xf32> to vector<16xf32>
      %swap3A_73 = vector.shape_cast %broadcast_in_dim3A_68 : vector<16xf32> to vector<1x16xf32>
      tpu.vector_store %arg11[%swap3A_69, %swap3A_70], %swap3A_73 {strides = array<i32>} : memref<128x128xf32, #tpu.memory_space<vmem>>, vector<1x16xf32>,
      %broadcast_in_dim3A_74 = arith.constant 0.000000e+00 : f32
      %broadcast_in_dim3A_75 = vector.broadcast %broadcast_in_dim3A_74 : f32 to vector<16xf32>
      %swap3A_76 = arith.index_cast %scan3A_40 : i32 to index
      %swap3A_77 = arith.constant 80 : index
      %swap3A_78 = tpu.vector_load %arg11[%swap3A_76, %swap3A_77] {strides = array<i32>} : memref<128x128xf32, #tpu.memory_space<vmem>>, vector<1x16xf32>,
      %swap3A_79 = vector.shape_cast %swap3A_78 : vector<1x16xf32> to vector<16xf32>
      %swap3A_80 = vector.shape_cast %broadcast_in_dim3A_75 : vector<16xf32> to vector<1x16xf32>
      tpu.vector_store %arg11[%swap3A_76, %swap3A_77], %swap3A_80 {strides = array<i32>} : memref<128x128xf32, #tpu.memory_space<vmem>>, vector<1x16xf32>,
      %broadcast_in_dim3A_81 = arith.constant 0.000000e+00 : f32
      %broadcast_in_dim3A_82 = vector.broadcast %broadcast_in_dim3A_81 : f32 to vector<16xf32>
      %swap3A_83 = arith.index_cast %scan3A_40 : i32 to index
      %swap3A_84 = arith.constant 96 : index
      %swap3A_85 = tpu.vector_load %arg11[%swap3A_83, %swap3A_84] {strides = array<i32>} : memref<128x128xf32, #tpu.memory_space<vmem>>, vector<1x16xf32>,
      %swap3A_86 = vector.shape_cast %swap3A_85 : vector<1x16xf32> to vector<16xf32>
      %swap3A_87 = vector.shape_cast %broadcast_in_dim3A_82 : vector<16xf32> to vector<1x16xf32>
      tpu.vector_store %arg11[%swap3A_83, %swap3A_84], %swap3A_87 {strides = array<i32>} : memref<128x128xf32, #tpu.memory_space<vmem>>, vector<1x16xf32>,
      %broadcast_in_dim3A_88 = arith.constant 0.000000e+00 : f32
      %broadcast_in_dim3A_89 = vector.broadcast %broadcast_in_dim3A_88 : f32 to vector<16xf32>
      %swap3A_90 = arith.index_cast %scan3A_40 : i32 to index
      %swap3A_91 = arith.constant 112 : index
      %swap3A_92 = tpu.vector_load %arg11[%swap3A_90, %swap3A_91] {strides = array<i32>} : memref<128x128xf32, #tpu.memory_space<vmem>>, vector<1x16xf32>,
      %swap3A_93 = vector.shape_cast %swap3A_92 : vector<1x16xf32> to vector<16xf32>
      %swap3A_94 = vector.shape_cast %broadcast_in_dim3A_89 : vector<16xf32> to vector<1x16xf32>
      tpu.vector_store %arg11[%swap3A_90, %swap3A_91], %swap3A_94 {strides = array<i32>} : memref<128x128xf32, #tpu.memory_space<vmem>>, vector<1x16xf32>,
    }
    %scan3A_5 = arith.constant 128 : i32
    %mul3A_6 = arith.constant 640 : i32
    %mul3A_7 = arith.muli %arg1, %mul3A_6 : i32
    %add3A_8 = arith.constant 0 : i32
    %add3A_9 = arith.addi %mul3A_7, %add3A_8 : i32
    "tpu.region"() ({
      %run_scoped3A = tpu.sem_alloc : memref<!tpu.dma_semaphore, #tpu.memory_space<semaphore_mem>>
      %dma_start3A = arith.constant 0 : i32
      %dma_start3A_40 = tpu.memref_slice %arg12[%add3A_9, %dma_start3A] : memref<10240x128xf32, #tpu.memory_space<vmem_shared>> -> memref<128x128xf32, #tpu.memory_space<vmem_shared>>
      %dma_start3A_41 = arith.constant 0 : i32
      %dma_start3A_42 = tpu.memref_slice %arg12[%add3A_9, %dma_start3A_41] : memref<10240x128xf32, #tpu.memory_space<vmem_shared>> -> memref<128x128xf32, #tpu.memory_space<vmem_shared>>
      tpu.enqueue_dma source(%arg11 : memref<128x128xf32, #tpu.memory_space<vmem>>) target(%dma_start3A_42 : memref<128x128xf32, #tpu.memory_space<vmem_shared>>) target_semaphore(%run_scoped3A : memref<!tpu.dma_semaphore, #tpu.memory_space<semaphore_mem>>)
      %dma_wait3A = arith.constant 0 : i32
      %dma_wait3A_43 = tpu.memref_slice %arg12[%add3A_9, %dma_wait3A] : memref<10240x128xf32, #tpu.memory_space<vmem_shared>> -> memref<128x128xf32, #tpu.memory_space<vmem_shared>>
      %dma_wait3A_44 = arith.constant 0 : i32
      %dma_wait3A_45 = tpu.memref_slice %arg12[%add3A_9, %dma_wait3A_44] : memref<10240x128xf32, #tpu.memory_space<vmem_shared>> -> memref<128x128xf32, #tpu.memory_space<vmem_shared>>
      tpu.wait_dma2 semaphore(%run_scoped3A : memref<!tpu.dma_semaphore, #tpu.memory_space<semaphore_mem>>) src(%arg11 : memref<128x128xf32, #tpu.memory_space<vmem>>) dst(%dma_wait3A_45 : memref<128x128xf32, #tpu.memory_space<vmem_shared>>)
      tpu.yield
    }) : () -> ()
    %mul3A_10 = arith.constant 640 : i32
    %mul3A_11 = arith.muli %arg1, %mul3A_10 : i32
    %add3A_12 = arith.constant 128 : i32
    %add3A_13 = arith.addi %mul3A_11, %add3A_12 : i32
    "tpu.region"() ({
      %run_scoped3A = tpu.sem_alloc : memref<!tpu.dma_semaphore, #tpu.memory_space<semaphore_mem>>
      %dma_start3A = arith.constant 0 : i32
      %dma_start3A_40 = tpu.memref_slice %arg12[%add3A_13, %dma_start3A] : memref<10240x128xf32, #tpu.memory_space<vmem_shared>> -> memref<128x128xf32, #tpu.memory_space<vmem_shared>>
      %dma_start3A_41 = arith.constant 0 : i32
      %dma_start3A_42 = tpu.memref_slice %arg12[%add3A_13, %dma_start3A_41] : memref<10240x128xf32, #tpu.memory_space<vmem_shared>> -> memref<128x128xf32, #tpu.memory_space<vmem_shared>>
      tpu.enqueue_dma source(%arg11 : memref<128x128xf32, #tpu.memory_space<vmem>>) target(%dma_start3A_42 : memref<128x128xf32, #tpu.memory_space<vmem_shared>>) target_semaphore(%run_scoped3A : memref<!tpu.dma_semaphore, #tpu.memory_space<semaphore_mem>>)
      %dma_wait3A = arith.constant 0 : i32
      %dma_wait3A_43 = tpu.memref_slice %arg12[%add3A_13, %dma_wait3A] : memref<10240x128xf32, #tpu.memory_space<vmem_shared>> -> memref<128x128xf32, #tpu.memory_space<vmem_shared>>
      %dma_wait3A_44 = arith.constant 0 : i32
      %dma_wait3A_45 = tpu.memref_slice %arg12[%add3A_13, %dma_wait3A_44] : memref<10240x128xf32, #tpu.memory_space<vmem_shared>> -> memref<128x128xf32, #tpu.memory_space<vmem_shared>>
      tpu.wait_dma2 semaphore(%run_scoped3A : memref<!tpu.dma_semaphore, #tpu.memory_space<semaphore_mem>>) src(%arg11 : memref<128x128xf32, #tpu.memory_space<vmem>>) dst(%dma_wait3A_45 : memref<128x128xf32, #tpu.memory_space<vmem_shared>>)
      tpu.yield
    }) : () -> ()
    %mul3A_14 = arith.constant 640 : i32
    %mul3A_15 = arith.muli %arg1, %mul3A_14 : i32
    %add3A_16 = arith.constant 256 : i32
    %add3A_17 = arith.addi %mul3A_15, %add3A_16 : i32
    "tpu.region"() ({
      %run_scoped3A = tpu.sem_alloc : memref<!tpu.dma_semaphore, #tpu.memory_space<semaphore_mem>>
      %dma_start3A = arith.constant 0 : i32
      %dma_start3A_40 = tpu.memref_slice %arg12[%add3A_17, %dma_start3A] : memref<10240x128xf32, #tpu.memory_space<vmem_shared>> -> memref<128x128xf32, #tpu.memory_space<vmem_shared>>
      %dma_start3A_41 = arith.constant 0 : i32
      %dma_start3A_42 = tpu.memref_slice %arg12[%add3A_17, %dma_start3A_41] : memref<10240x128xf32, #tpu.memory_space<vmem_shared>> -> memref<128x128xf32, #tpu.memory_space<vmem_shared>>
      tpu.enqueue_dma source(%arg11 : memref<128x128xf32, #tpu.memory_space<vmem>>) target(%dma_start3A_42 : memref<128x128xf32, #tpu.memory_space<vmem_shared>>) target_semaphore(%run_scoped3A : memref<!tpu.dma_semaphore, #tpu.memory_space<semaphore_mem>>)
      %dma_wait3A = arith.constant 0 : i32
      %dma_wait3A_43 = tpu.memref_slice %arg12[%add3A_17, %dma_wait3A] : memref<10240x128xf32, #tpu.memory_space<vmem_shared>> -> memref<128x128xf32, #tpu.memory_space<vmem_shared>>
      %dma_wait3A_44 = arith.constant 0 : i32
      %dma_wait3A_45 = tpu.memref_slice %arg12[%add3A_17, %dma_wait3A_44] : memref<10240x128xf32, #tpu.memory_space<vmem_shared>> -> memref<128x128xf32, #tpu.memory_space<vmem_shared>>
      tpu.wait_dma2 semaphore(%run_scoped3A : memref<!tpu.dma_semaphore, #tpu.memory_space<semaphore_mem>>) src(%arg11 : memref<128x128xf32, #tpu.memory_space<vmem>>) dst(%dma_wait3A_45 : memref<128x128xf32, #tpu.memory_space<vmem_shared>>)
      tpu.yield
    }) : () -> ()
    %mul3A_18 = arith.constant 640 : i32
    %mul3A_19 = arith.muli %arg1, %mul3A_18 : i32
    %add3A_20 = arith.constant 384 : i32
    %add3A_21 = arith.addi %mul3A_19, %add3A_20 : i32
    "tpu.region"() ({
      %run_scoped3A = tpu.sem_alloc : memref<!tpu.dma_semaphore, #tpu.memory_space<semaphore_mem>>
      %dma_start3A = arith.constant 0 : i32
      %dma_start3A_40 = tpu.memref_slice %arg12[%add3A_21, %dma_start3A] : memref<10240x128xf32, #tpu.memory_space<vmem_shared>> -> memref<128x128xf32, #tpu.memory_space<vmem_shared>>
      %dma_start3A_41 = arith.constant 0 : i32
      %dma_start3A_42 = tpu.memref_slice %arg12[%add3A_21, %dma_start3A_41] : memref<10240x128xf32, #tpu.memory_space<vmem_shared>> -> memref<128x128xf32, #tpu.memory_space<vmem_shared>>
      tpu.enqueue_dma source(%arg11 : memref<128x128xf32, #tpu.memory_space<vmem>>) target(%dma_start3A_42 : memref<128x128xf32, #tpu.memory_space<vmem_shared>>) target_semaphore(%run_scoped3A : memref<!tpu.dma_semaphore, #tpu.memory_space<semaphore_mem>>)
      %dma_wait3A = arith.constant 0 : i32
      %dma_wait3A_43 = tpu.memref_slice %arg12[%add3A_21, %dma_wait3A] : memref<10240x128xf32, #tpu.memory_space<vmem_shared>> -> memref<128x128xf32, #tpu.memory_space<vmem_shared>>
      %dma_wait3A_44 = arith.constant 0 : i32
      %dma_wait3A_45 = tpu.memref_slice %arg12[%add3A_21, %dma_wait3A_44] : memref<10240x128xf32, #tpu.memory_space<vmem_shared>> -> memref<128x128xf32, #tpu.memory_space<vmem_shared>>
      tpu.wait_dma2 semaphore(%run_scoped3A : memref<!tpu.dma_semaphore, #tpu.memory_space<semaphore_mem>>) src(%arg11 : memref<128x128xf32, #tpu.memory_space<vmem>>) dst(%dma_wait3A_45 : memref<128x128xf32, #tpu.memory_space<vmem_shared>>)
      tpu.yield
    }) : () -> ()
    %mul3A_22 = arith.constant 640 : i32
    %mul3A_23 = arith.muli %arg1, %mul3A_22 : i32
    %add3A_24 = arith.constant 512 : i32
    %add3A_25 = arith.addi %mul3A_23, %add3A_24 : i32
    "tpu.region"() ({
      %run_scoped3A = tpu.sem_alloc : memref<!tpu.dma_semaphore, #tpu.memory_space<semaphore_mem>>
      %dma_start3A = arith.constant 0 : i32
      %dma_start3A_40 = tpu.memref_slice %arg12[%add3A_25, %dma_start3A] : memref<10240x128xf32, #tpu.memory_space<vmem_shared>> -> memref<128x128xf32, #tpu.memory_space<vmem_shared>>
      %dma_start3A_41 = arith.constant 0 : i32
      %dma_start3A_42 = tpu.memref_slice %arg12[%add3A_25, %dma_start3A_41] : memref<10240x128xf32, #tpu.memory_space<vmem_shared>> -> memref<128x128xf32, #tpu.memory_space<vmem_shared>>
      tpu.enqueue_dma source(%arg11 : memref<128x128xf32, #tpu.memory_space<vmem>>) target(%dma_start3A_42 : memref<128x128xf32, #tpu.memory_space<vmem_shared>>) target_semaphore(%run_scoped3A : memref<!tpu.dma_semaphore, #tpu.memory_space<semaphore_mem>>)
      %dma_wait3A = arith.constant 0 : i32
      %dma_wait3A_43 = tpu.memref_slice %arg12[%add3A_25, %dma_wait3A] : memref<10240x128xf32, #tpu.memory_space<vmem_shared>> -> memref<128x128xf32, #tpu.memory_space<vmem_shared>>
      %dma_wait3A_44 = arith.constant 0 : i32
      %dma_wait3A_45 = tpu.memref_slice %arg12[%add3A_25, %dma_wait3A_44] : memref<10240x128xf32, #tpu.memory_space<vmem_shared>> -> memref<128x128xf32, #tpu.memory_space<vmem_shared>>
      tpu.wait_dma2 semaphore(%run_scoped3A : memref<!tpu.dma_semaphore, #tpu.memory_space<semaphore_mem>>) src(%arg11 : memref<128x128xf32, #tpu.memory_space<vmem>>) dst(%dma_wait3A_45 : memref<128x128xf32, #tpu.memory_space<vmem_shared>>)
      tpu.yield
    }) : () -> ()
    %barrier3A = arith.constant 0 : index
    tpu.barrier barrier_id(%barrier3A)
    %scan3A_26 = arith.constant 0 : i32
    %scan3A_27 = arith.constant 0 : i32
    %scan3A_28 = arith.constant 125 : i32
    %scan3A_29 = arith.addi %scan3A_27, %scan3A_28 : i32
    %scan3A_30 = arith.constant 1 : i32
    scf.for %scan3A_40 = %scan3A_27 to %scan3A_29 step %scan3A_30  : i32 {
      %mul3A_41 = arith.constant 10000 : i32
      %mul3A_42 = arith.muli %add3A, %mul3A_41 : i32
      %mul3A_43 = arith.constant 80 : i32
      %mul3A_44 = arith.muli %scan3A_40, %mul3A_43 : i32
      %add3A_45 = arith.addi %mul3A_42, %mul3A_44 : i32
      "tpu.region"() ({
        %run_scoped3A = tpu.sem_alloc : memref<!tpu.dma_semaphore, #tpu.memory_space<semaphore_mem>>
        %dma_start3A_56 = tpu.memref_slice %arg4[%add3A_45] : memref<320000xi32, #tpu.memory_space<hbm>> -> memref<80xi32, #tpu.memory_space<hbm>>
        %dma_start3A_57 = tpu.memref_slice %arg4[%add3A_45] : memref<320000xi32, #tpu.memory_space<hbm>> -> memref<80xi32, #tpu.memory_space<hbm>>
        tpu.enqueue_dma source(%dma_start3A_57 : memref<80xi32, #tpu.memory_space<hbm>>) target(%arg7 : memref<80xi32, #tpu.memory_space<vmem>>) target_semaphore(%run_scoped3A : memref<!tpu.dma_semaphore, #tpu.memory_space<semaphore_mem>>)
        %dma_wait3A_58 = tpu.memref_slice %arg4[%add3A_45] : memref<320000xi32, #tpu.memory_space<hbm>> -> memref<80xi32, #tpu.memory_space<hbm>>
        %dma_wait3A_59 = tpu.memref_slice %arg4[%add3A_45] : memref<320000xi32, #tpu.memory_space<hbm>> -> memref<80xi32, #tpu.memory_space<hbm>>
        tpu.wait_dma2 semaphore(%run_scoped3A : memref<!tpu.dma_semaphore, #tpu.memory_space<semaphore_mem>>) src(%dma_wait3A_59 : memref<80xi32, #tpu.memory_space<hbm>>) dst(%arg7 : memref<80xi32, #tpu.memory_space<vmem>>)
        tpu.yield
      }) : () -> ()
      "tpu.region"() ({
        %run_scoped3A = tpu.sem_alloc : memref<!tpu.dma_semaphore, #tpu.memory_space<semaphore_mem>>
        %dma_start3A_56 = tpu.memref_slice %arg5[%add3A_45] : memref<320000xi32, #tpu.memory_space<hbm>> -> memref<80xi32, #tpu.memory_space<hbm>>
        %dma_start3A_57 = tpu.memref_slice %arg5[%add3A_45] : memref<320000xi32, #tpu.memory_space<hbm>> -> memref<80xi32, #tpu.memory_space<hbm>>
        tpu.enqueue_dma source(%dma_start3A_57 : memref<80xi32, #tpu.memory_space<hbm>>) target(%arg8 : memref<80xi32, #tpu.memory_space<vmem>>) target_semaphore(%run_scoped3A : memref<!tpu.dma_semaphore, #tpu.memory_space<semaphore_mem>>)
        %dma_wait3A_58 = tpu.memref_slice %arg5[%add3A_45] : memref<320000xi32, #tpu.memory_space<hbm>> -> memref<80xi32, #tpu.memory_space<hbm>>
        %dma_wait3A_59 = tpu.memref_slice %arg5[%add3A_45] : memref<320000xi32, #tpu.memory_space<hbm>> -> memref<80xi32, #tpu.memory_space<hbm>>
        tpu.wait_dma2 semaphore(%run_scoped3A : memref<!tpu.dma_semaphore, #tpu.memory_space<semaphore_mem>>) src(%dma_wait3A_59 : memref<80xi32, #tpu.memory_space<hbm>>) dst(%arg8 : memref<80xi32, #tpu.memory_space<vmem>>)
        tpu.yield
      }) : () -> ()
      %dma_start3A = arith.constant 0 : i32
      %dma_start3A_46 = arith.constant 0 : i32
      %dma_start3A_47 = tpu.memref_slice %arg2[%dma_start3A, %dma_start3A_46] : memref<10000x128xf32, #tpu.memory_space<hbm>> -> memref<10000x128xf32, #tpu.memory_space<hbm>>
      tpu.enqueue_indirect_dma source(%dma_start3A_47 : memref<10000x128xf32, #tpu.memory_space<hbm>>) target(%arg10 : memref<80x128xf32, #tpu.memory_space<vmem>>) offsets(%arg8 : memref<80xi32, #tpu.memory_space<vmem>>) semaphore(%arg13 : memref<!tpu.dma_semaphore, #tpu.memory_space<semaphore_mem>>)
      %dma_wait3A = arith.constant 0 : i32
      %dma_wait3A_48 = arith.constant 0 : i32
      %dma_wait3A_49 = tpu.memref_slice %arg2[%dma_wait3A, %dma_wait3A_48] : memref<10000x128xf32, #tpu.memory_space<hbm>> -> memref<10000x128xf32, #tpu.memory_space<hbm>>
      tpu.wait_indirect_dma semaphore(%arg13 : memref<!tpu.dma_semaphore, #tpu.memory_space<semaphore_mem>>) src(%dma_wait3A_49 : memref<10000x128xf32, #tpu.memory_space<hbm>>) dst(%arg10 : memref<80x128xf32, #tpu.memory_space<vmem>>)
      "tpu.region"() ({
        %run_scoped3A = tpu.sem_alloc : memref<!tpu.dma_semaphore, #tpu.memory_space<semaphore_mem>>
        %dma_start3A_56 = arith.constant 0 : i32
        %dma_start3A_57 = tpu.memref_slice %arg3[%add3A_45, %dma_start3A_56] : memref<320000x128xf32, #tpu.memory_space<hbm>> -> memref<80x128xf32, #tpu.memory_space<hbm>>
        %dma_start3A_58 = arith.constant 0 : i32
        %dma_start3A_59 = tpu.memref_slice %arg3[%add3A_45, %dma_start3A_58] : memref<320000x128xf32, #tpu.memory_space<hbm>> -> memref<80x128xf32, #tpu.memory_space<hbm>>
        tpu.enqueue_dma source(%dma_start3A_59 : memref<80x128xf32, #tpu.memory_space<hbm>>) target(%arg9 : memref<80x128xf32, #tpu.memory_space<vmem>>) target_semaphore(%run_scoped3A : memref<!tpu.dma_semaphore, #tpu.memory_space<semaphore_mem>>)
        %dma_wait3A_60 = arith.constant 0 : i32
        %dma_wait3A_61 = tpu.memref_slice %arg3[%add3A_45, %dma_wait3A_60] : memref<320000x128xf32, #tpu.memory_space<hbm>> -> memref<80x128xf32, #tpu.memory_space<hbm>>
        %dma_wait3A_62 = arith.constant 0 : i32
        %dma_wait3A_63 = tpu.memref_slice %arg3[%add3A_45, %dma_wait3A_62] : memref<320000x128xf32, #tpu.memory_space<hbm>> -> memref<80x128xf32, #tpu.memory_space<hbm>>
        tpu.wait_dma2 semaphore(%run_scoped3A : memref<!tpu.dma_semaphore, #tpu.memory_space<semaphore_mem>>) src(%dma_wait3A_63 : memref<80x128xf32, #tpu.memory_space<hbm>>) dst(%arg9 : memref<80x128xf32, #tpu.memory_space<vmem>>)
        tpu.yield
      }) : () -> ()
      %scan3A_50 = arith.constant 0 : i32
      %scan3A_51 = arith.constant 0 : i32
      %scan3A_52 = arith.constant 80 : i32
      %scan3A_53 = arith.addi %scan3A_51, %scan3A_52 : i32
      %scan3A_54 = arith.constant 1 : i32
      scf.for %scan3A_56 = %scan3A_51 to %scan3A_53 step %scan3A_54  : i32 {
        %get3A = arith.index_cast %scan3A_56 : i32 to index
        %get3A_57 = arith.constant 0 : index
        %get3A_58 = tpu.vector_load %arg10[%get3A, %get3A_57] {strides = array<i32>} : memref<80x128xf32, #tpu.memory_space<vmem>>, vector<1x16xf32>,
        %get3A_59 = vector.shape_cast %get3A_58 : vector<1x16xf32> to vector<16xf32>
        %get3A_60 = arith.index_cast %scan3A_56 : i32 to index
        %get3A_61 = arith.constant 0 : index
        %get3A_62 = tpu.vector_load %arg9[%get3A_60, %get3A_61] {strides = array<i32>} : memref<80x128xf32, #tpu.memory_space<vmem>>, vector<1x16xf32>,
        %get3A_63 = vector.shape_cast %get3A_62 : vector<1x16xf32> to vector<16xf32>
        %mul3A_64 = arith.mulf %get3A_59, %get3A_63 : vector<16xf32>
        %swap3A = arith.index_cast %scan3A_56 : i32 to index
        %swap3A_65 = arith.constant 0 : index
        %swap3A_66 = tpu.vector_load %arg10[%swap3A, %swap3A_65] {strides = array<i32>} : memref<80x128xf32, #tpu.memory_space<vmem>>, vector<1x16xf32>,
        %swap3A_67 = vector.shape_cast %swap3A_66 : vector<1x16xf32> to vector<16xf32>
        %swap3A_68 = vector.shape_cast %mul3A_64 : vector<16xf32> to vector<1x16xf32>
        tpu.vector_store %arg10[%swap3A, %swap3A_65], %swap3A_68 {strides = array<i32>} : memref<80x128xf32, #tpu.memory_space<vmem>>, vector<1x16xf32>,
        %get3A_69 = arith.index_cast %scan3A_56 : i32 to index
        %get3A_70 = arith.constant 16 : index
        %get3A_71 = tpu.vector_load %arg10[%get3A_69, %get3A_70] {strides = array<i32>} : memref<80x128xf32, #tpu.memory_space<vmem>>, vector<1x16xf32>,
        %get3A_72 = vector.shape_cast %get3A_71 : vector<1x16xf32> to vector<16xf32>
        %get3A_73 = arith.index_cast %scan3A_56 : i32 to index
        %get3A_74 = arith.constant 16 : index
        %get3A_75 = tpu.vector_load %arg9[%get3A_73, %get3A_74] {strides = array<i32>} : memref<80x128xf32, #tpu.memory_space<vmem>>, vector<1x16xf32>,
        %get3A_76 = vector.shape_cast %get3A_75 : vector<1x16xf32> to vector<16xf32>
        %mul3A_77 = arith.mulf %get3A_72, %get3A_76 : vector<16xf32>
        %swap3A_78 = arith.index_cast %scan3A_56 : i32 to index
        %swap3A_79 = arith.constant 16 : index
        %swap3A_80 = tpu.vector_load %arg10[%swap3A_78, %swap3A_79] {strides = array<i32>} : memref<80x128xf32, #tpu.memory_space<vmem>>, vector<1x16xf32>,
        %swap3A_81 = vector.shape_cast %swap3A_80 : vector<1x16xf32> to vector<16xf32>
        %swap3A_82 = vector.shape_cast %mul3A_77 : vector<16xf32> to vector<1x16xf32>
        tpu.vector_store %arg10[%swap3A_78, %swap3A_79], %swap3A_82 {strides = array<i32>} : memref<80x128xf32, #tpu.memory_space<vmem>>, vector<1x16xf32>,
        %get3A_83 = arith.index_cast %scan3A_56 : i32 to index
        %get3A_84 = arith.constant 32 : index
        %get3A_85 = tpu.vector_load %arg10[%get3A_83, %get3A_84] {strides = array<i32>} : memref<80x128xf32, #tpu.memory_space<vmem>>, vector<1x16xf32>,
        %get3A_86 = vector.shape_cast %get3A_85 : vector<1x16xf32> to vector<16xf32>
        %get3A_87 = arith.index_cast %scan3A_56 : i32 to index
        %get3A_88 = arith.constant 32 : index
        %get3A_89 = tpu.vector_load %arg9[%get3A_87, %get3A_88] {strides = array<i32>} : memref<80x128xf32, #tpu.memory_space<vmem>>, vector<1x16xf32>,
        %get3A_90 = vector.shape_cast %get3A_89 : vector<1x16xf32> to vector<16xf32>
        %mul3A_91 = arith.mulf %get3A_86, %get3A_90 : vector<16xf32>
        %swap3A_92 = arith.index_cast %scan3A_56 : i32 to index
        %swap3A_93 = arith.constant 32 : index
        %swap3A_94 = tpu.vector_load %arg10[%swap3A_92, %swap3A_93] {strides = array<i32>} : memref<80x128xf32, #tpu.memory_space<vmem>>, vector<1x16xf32>,
        %swap3A_95 = vector.shape_cast %swap3A_94 : vector<1x16xf32> to vector<16xf32>
        %swap3A_96 = vector.shape_cast %mul3A_91 : vector<16xf32> to vector<1x16xf32>
        tpu.vector_store %arg10[%swap3A_92, %swap3A_93], %swap3A_96 {strides = array<i32>} : memref<80x128xf32, #tpu.memory_space<vmem>>, vector<1x16xf32>,
        %get3A_97 = arith.index_cast %scan3A_56 : i32 to index
        %get3A_98 = arith.constant 48 : index
        %get3A_99 = tpu.vector_load %arg10[%get3A_97, %get3A_98] {strides = array<i32>} : memref<80x128xf32, #tpu.memory_space<vmem>>, vector<1x16xf32>,
        %get3A_100 = vector.shape_cast %get3A_99 : vector<1x16xf32> to vector<16xf32>
        %get3A_101 = arith.index_cast %scan3A_56 : i32 to index
        %get3A_102 = arith.constant 48 : index
        %get3A_103 = tpu.vector_load %arg9[%get3A_101, %get3A_102] {strides = array<i32>} : memref<80x128xf32, #tpu.memory_space<vmem>>, vector<1x16xf32>,
        %get3A_104 = vector.shape_cast %get3A_103 : vector<1x16xf32> to vector<16xf32>
        %mul3A_105 = arith.mulf %get3A_100, %get3A_104 : vector<16xf32>
        %swap3A_106 = arith.index_cast %scan3A_56 : i32 to index
        %swap3A_107 = arith.constant 48 : index
        %swap3A_108 = tpu.vector_load %arg10[%swap3A_106, %swap3A_107] {strides = array<i32>} : memref<80x128xf32, #tpu.memory_space<vmem>>, vector<1x16xf32>,
        %swap3A_109 = vector.shape_cast %swap3A_108 : vector<1x16xf32> to vector<16xf32>
        %swap3A_110 = vector.shape_cast %mul3A_105 : vector<16xf32> to vector<1x16xf32>
        tpu.vector_store %arg10[%swap3A_106, %swap3A_107], %swap3A_110 {strides = array<i32>} : memref<80x128xf32, #tpu.memory_space<vmem>>, vector<1x16xf32>,
        %get3A_111 = arith.index_cast %scan3A_56 : i32 to index
        %get3A_112 = arith.constant 64 : index
        %get3A_113 = tpu.vector_load %arg10[%get3A_111, %get3A_112] {strides = array<i32>} : memref<80x128xf32, #tpu.memory_space<vmem>>, vector<1x16xf32>,
        %get3A_114 = vector.shape_cast %get3A_113 : vector<1x16xf32> to vector<16xf32>
        %get3A_115 = arith.index_cast %scan3A_56 : i32 to index
        %get3A_116 = arith.constant 64 : index
        %get3A_117 = tpu.vector_load %arg9[%get3A_115, %get3A_116] {strides = array<i32>} : memref<80x128xf32, #tpu.memory_space<vmem>>, vector<1x16xf32>,
        %get3A_118 = vector.shape_cast %get3A_117 : vector<1x16xf32> to vector<16xf32>
        %mul3A_119 = arith.mulf %get3A_114, %get3A_118 : vector<16xf32>
        %swap3A_120 = arith.index_cast %scan3A_56 : i32 to index
        %swap3A_121 = arith.constant 64 : index
        %swap3A_122 = tpu.vector_load %arg10[%swap3A_120, %swap3A_121] {strides = array<i32>} : memref<80x128xf32, #tpu.memory_space<vmem>>, vector<1x16xf32>,
        %swap3A_123 = vector.shape_cast %swap3A_122 : vector<1x16xf32> to vector<16xf32>
        %swap3A_124 = vector.shape_cast %mul3A_119 : vector<16xf32> to vector<1x16xf32>
        tpu.vector_store %arg10[%swap3A_120, %swap3A_121], %swap3A_124 {strides = array<i32>} : memref<80x128xf32, #tpu.memory_space<vmem>>, vector<1x16xf32>,
        %get3A_125 = arith.index_cast %scan3A_56 : i32 to index
        %get3A_126 = arith.constant 80 : index
        %get3A_127 = tpu.vector_load %arg10[%get3A_125, %get3A_126] {strides = array<i32>} : memref<80x128xf32, #tpu.memory_space<vmem>>, vector<1x16xf32>,
        %get3A_128 = vector.shape_cast %get3A_127 : vector<1x16xf32> to vector<16xf32>
        %get3A_129 = arith.index_cast %scan3A_56 : i32 to index
        %get3A_130 = arith.constant 80 : index
        %get3A_131 = tpu.vector_load %arg9[%get3A_129, %get3A_130] {strides = array<i32>} : memref<80x128xf32, #tpu.memory_space<vmem>>, vector<1x16xf32>,
        %get3A_132 = vector.shape_cast %get3A_131 : vector<1x16xf32> to vector<16xf32>
        %mul3A_133 = arith.mulf %get3A_128, %get3A_132 : vector<16xf32>
        %swap3A_134 = arith.index_cast %scan3A_56 : i32 to index
        %swap3A_135 = arith.constant 80 : index
        %swap3A_136 = tpu.vector_load %arg10[%swap3A_134, %swap3A_135] {strides = array<i32>} : memref<80x128xf32, #tpu.memory_space<vmem>>, vector<1x16xf32>,
        %swap3A_137 = vector.shape_cast %swap3A_136 : vector<1x16xf32> to vector<16xf32>
        %swap3A_138 = vector.shape_cast %mul3A_133 : vector<16xf32> to vector<1x16xf32>
        tpu.vector_store %arg10[%swap3A_134, %swap3A_135], %swap3A_138 {strides = array<i32>} : memref<80x128xf32, #tpu.memory_space<vmem>>, vector<1x16xf32>,
        %get3A_139 = arith.index_cast %scan3A_56 : i32 to index
        %get3A_140 = arith.constant 96 : index
        %get3A_141 = tpu.vector_load %arg10[%get3A_139, %get3A_140] {strides = array<i32>} : memref<80x128xf32, #tpu.memory_space<vmem>>, vector<1x16xf32>,
        %get3A_142 = vector.shape_cast %get3A_141 : vector<1x16xf32> to vector<16xf32>
        %get3A_143 = arith.index_cast %scan3A_56 : i32 to index
        %get3A_144 = arith.constant 96 : index
        %get3A_145 = tpu.vector_load %arg9[%get3A_143, %get3A_144] {strides = array<i32>} : memref<80x128xf32, #tpu.memory_space<vmem>>, vector<1x16xf32>,
        %get3A_146 = vector.shape_cast %get3A_145 : vector<1x16xf32> to vector<16xf32>
        %mul3A_147 = arith.mulf %get3A_142, %get3A_146 : vector<16xf32>
        %swap3A_148 = arith.index_cast %scan3A_56 : i32 to index
        %swap3A_149 = arith.constant 96 : index
        %swap3A_150 = tpu.vector_load %arg10[%swap3A_148, %swap3A_149] {strides = array<i32>} : memref<80x128xf32, #tpu.memory_space<vmem>>, vector<1x16xf32>,
        %swap3A_151 = vector.shape_cast %swap3A_150 : vector<1x16xf32> to vector<16xf32>
        %swap3A_152 = vector.shape_cast %mul3A_147 : vector<16xf32> to vector<1x16xf32>
        tpu.vector_store %arg10[%swap3A_148, %swap3A_149], %swap3A_152 {strides = array<i32>} : memref<80x128xf32, #tpu.memory_space<vmem>>, vector<1x16xf32>,
        %get3A_153 = arith.index_cast %scan3A_56 : i32 to index
        %get3A_154 = arith.constant 112 : index
        %get3A_155 = tpu.vector_load %arg10[%get3A_153, %get3A_154] {strides = array<i32>} : memref<80x128xf32, #tpu.memory_space<vmem>>, vector<1x16xf32>,
        %get3A_156 = vector.shape_cast %get3A_155 : vector<1x16xf32> to vector<16xf32>
        %get3A_157 = arith.index_cast %scan3A_56 : i32 to index
        %get3A_158 = arith.constant 112 : index
        %get3A_159 = tpu.vector_load %arg9[%get3A_157, %get3A_158] {strides = array<i32>} : memref<80x128xf32, #tpu.memory_space<vmem>>, vector<1x16xf32>,
        %get3A_160 = vector.shape_cast %get3A_159 : vector<1x16xf32> to vector<16xf32>
        %mul3A_161 = arith.mulf %get3A_156, %get3A_160 : vector<16xf32>
        %swap3A_162 = arith.index_cast %scan3A_56 : i32 to index
        %swap3A_163 = arith.constant 112 : index
        %swap3A_164 = tpu.vector_load %arg10[%swap3A_162, %swap3A_163] {strides = array<i32>} : memref<80x128xf32, #tpu.memory_space<vmem>>, vector<1x16xf32>,
        %swap3A_165 = vector.shape_cast %swap3A_164 : vector<1x16xf32> to vector<16xf32>
        %swap3A_166 = vector.shape_cast %mul3A_161 : vector<16xf32> to vector<1x16xf32>
        tpu.vector_store %arg10[%swap3A_162, %swap3A_163], %swap3A_166 {strides = array<i32>} : memref<80x128xf32, #tpu.memory_space<vmem>>, vector<1x16xf32>,
      }
      %scan3A_55 = arith.constant 80 : i32
      "tpu.region"() ({
        %run_scoped3A = tpu.sem_alloc : memref<!tpu.dma_semaphore, #tpu.memory_space<semaphore_mem>>
        %dma_start3A_56 = arith.constant 0 : i32
        %dma_start3A_57 = arith.constant 0 : i32
        %dma_start3A_58 = tpu.memref_slice %arg12[%dma_start3A_56, %dma_start3A_57] : memref<10240x128xf32, #tpu.memory_space<vmem_shared>> -> memref<10240x128xf32, #tpu.memory_space<vmem_shared>>
        tpu.enqueue_indirect_dma source(%arg10 : memref<80x128xf32, #tpu.memory_space<vmem>>) target(%dma_start3A_58 : memref<10240x128xf32, #tpu.memory_space<vmem_shared>>) offsets(%arg7 : memref<80xi32, #tpu.memory_space<vmem>>) semaphore(%run_scoped3A : memref<!tpu.dma_semaphore, #tpu.memory_space<semaphore_mem>>) {add = true}
        %dma_wait3A_59 = arith.constant 0 : i32
        %dma_wait3A_60 = arith.constant 0 : i32
        %dma_wait3A_61 = tpu.memref_slice %arg12[%dma_wait3A_59, %dma_wait3A_60] : memref<10240x128xf32, #tpu.memory_space<vmem_shared>> -> memref<10240x128xf32, #tpu.memory_space<vmem_shared>>
        tpu.wait_indirect_dma semaphore(%run_scoped3A : memref<!tpu.dma_semaphore, #tpu.memory_space<semaphore_mem>>) src(%arg10 : memref<80x128xf32, #tpu.memory_space<vmem>>) dst(%dma_wait3A_61 : memref<10240x128xf32, #tpu.memory_space<vmem_shared>>)
        tpu.yield
      }) : () -> ()
    }
    %scan3A_31 = arith.constant 125 : i32
    %barrier3A_32 = arith.constant 0 : index
    tpu.barrier barrier_id(%barrier3A_32)
    %mul3A_33 = arith.constant 640 : i32
    %mul3A_34 = arith.muli %arg1, %mul3A_33 : i32
    %mul3A_35 = arith.constant 10240 : i32
    %mul3A_36 = arith.muli %arg0, %mul3A_35 : i32
    %mul3A_37 = arith.constant 640 : i32
    %mul3A_38 = arith.muli %arg1, %mul3A_37 : i32
    %add3A_39 = arith.addi %mul3A_36, %mul3A_38 : i32
    "tpu.region"() ({
      %run_scoped3A = tpu.sem_alloc : memref<!tpu.dma_semaphore, #tpu.memory_space<semaphore_mem>>
      %dma_start3A = arith.constant 0 : i32
      %dma_start3A_40 = tpu.memref_slice %arg6[%add3A_39, %dma_start3A] : memref<20480x128xf32, #tpu.memory_space<hbm>> -> memref<640x128xf32, #tpu.memory_space<hbm>>
      %dma_start3A_41 = arith.constant 0 : i32
      %dma_start3A_42 = tpu.memref_slice %arg12[%mul3A_34, %dma_start3A_41] : memref<10240x128xf32, #tpu.memory_space<vmem_shared>> -> memref<640x128xf32, #tpu.memory_space<vmem_shared>>
      tpu.enqueue_dma source(%dma_start3A_42 : memref<640x128xf32, #tpu.memory_space<vmem_shared>>) target(%dma_start3A_40 : memref<640x128xf32, #tpu.memory_space<hbm>>) target_semaphore(%run_scoped3A : memref<!tpu.dma_semaphore, #tpu.memory_space<semaphore_mem>>)
      %dma_wait3A = arith.constant 0 : i32
      %dma_wait3A_43 = tpu.memref_slice %arg6[%add3A_39, %dma_wait3A] : memref<20480x128xf32, #tpu.memory_space<hbm>> -> memref<640x128xf32, #tpu.memory_space<hbm>>
      %dma_wait3A_44 = arith.constant 0 : i32
      %dma_wait3A_45 = tpu.memref_slice %arg12[%mul3A_34, %dma_wait3A_44] : memref<10240x128xf32, #tpu.memory_space<vmem_shared>> -> memref<640x128xf32, #tpu.memory_space<vmem_shared>>
      tpu.wait_dma2 semaphore(%run_scoped3A : memref<!tpu.dma_semaphore, #tpu.memory_space<semaphore_mem>>) src(%dma_wait3A_45 : memref<640x128xf32, #tpu.memory_space<vmem_shared>>) dst(%dma_wait3A_43 : memref<640x128xf32, #tpu.memory_space<hbm>>)
      tpu.yield
    }) : () -> ()
    return
  }
}

module attributes {stable_mosaic.version = 14 : i64} {
  func.func @_gmat_body(%arg0: i32, %arg1: memref<6400x32xf32, #tpu.memory_space<vmem>>, %arg2: memref<32x128xf32, #tpu.memory_space<vmem>>, %arg3: memref<1x128xf32, #tpu.memory_space<vmem>>, %arg4: memref<6400x128xf32, #tpu.memory_space<vmem>>) attributes {dimension_semantics = [#tpu.dimension_semantics<arbitrary>], iteration_bounds = array<i64: 50>, scalar_prefetch = 0 : i64, scratch_operands = 0 : i64, tpu.core_type = #tpu.core_type<tc>, window_params = [{transform_indices = @transform_0, window_bounds = array<i64: 6400, 32>}, {pipeline_mode = #tpu.pipeline_mode<synchronous>, transform_indices = @transform_1, window_bounds = array<i64: 32, 128>}, {pipeline_mode = #tpu.pipeline_mode<synchronous>, transform_indices = @transform_2, window_bounds = array<i64: 1, 128>}, {transform_indices = @transform_3, window_bounds = array<i64: 6400, 128>}]} {
    %get3A = arith.constant 0 : index
    %get3A_0 = arith.constant 0 : index
    %get3A_1 = vector.load %arg1[%get3A, %get3A_0] : memref<6400x32xf32, #tpu.memory_space<vmem>>, vector<6400x32xf32>
    %get3A_2 = arith.constant 0 : index
    %get3A_3 = arith.constant 0 : index
    %get3A_4 = vector.load %arg2[%get3A_2, %get3A_3] : memref<32x128xf32, #tpu.memory_space<vmem>>, vector<32x128xf32>
    %dot_general3A = arith.constant dense<0.000000e+00> : vector<6400x128xf32>
    %dot_general3A_5 = tpu.matmul %get3A_1, %get3A_4, %dot_general3A {dimension_numbers = #tpu.dot_dimension_numbers<[1], [0], [0], [1], [0, 0, 1, 1], [], []>, transpose_lhs_hint = false} : vector<6400x32xf32>, vector<32x128xf32>, vector<6400x128xf32> -> vector<6400x128xf32>
    %get3A_6 = arith.constant 0 : index
    %get3A_7 = arith.constant 0 : index
    %get3A_8 = vector.load %arg3[%get3A_6, %get3A_7] : memref<1x128xf32, #tpu.memory_space<vmem>>, vector<1x128xf32>
    %add3A = vector.broadcast %get3A_8 : vector<1x128xf32> to vector<6400x128xf32>
    %add3A_9 = arith.addf %dot_general3A_5, %add3A : vector<6400x128xf32>
    %swap3A = arith.constant 0 : index
    %swap3A_10 = arith.constant 0 : index
    %swap3A_11 = vector.load %arg4[%swap3A, %swap3A_10] : memref<6400x128xf32, #tpu.memory_space<vmem>>, vector<6400x128xf32>
    tpu.vector_store %arg4[%swap3A, %swap3A_10], %add3A_9 {strides = array<i32>} : memref<6400x128xf32, #tpu.memory_space<vmem>>, vector<6400x128xf32>,
    return
  }
  func.func @transform_0(%arg0: i32) -> (i32, i32) {
    %c0_i32 = arith.constant 0 : i32
    %c0_i32_0 = arith.constant 0 : i32
    return %arg0, %c0_i32 : i32, i32
  }
  func.func @transform_1(%arg0: i32) -> (i32, i32) {
    %c0_i32 = arith.constant 0 : i32
    %c0_i32_0 = arith.constant 0 : i32
    %c0_i32_1 = arith.constant 0 : i32
    return %c0_i32, %c0_i32_0 : i32, i32
  }
  func.func @transform_2(%arg0: i32) -> (i32, i32) {
    %c0_i32 = arith.constant 0 : i32
    %c0_i32_0 = arith.constant 0 : i32
    %c0_i32_1 = arith.constant 0 : i32
    return %c0_i32, %c0_i32_0 : i32, i32
  }
  func.func @transform_3(%arg0: i32) -> (i32, i32) {
    %c0_i32 = arith.constant 0 : i32
    %c0_i32_0 = arith.constant 0 : i32
    return %arg0, %c0_i32 : i32, i32
  }
}

module attributes {stable_mosaic.version = 14 : i64} {
  func.func @_pre_body(%arg0: i32, %arg1: memref<2000x128xf32, #tpu.memory_space<vmem>>, %arg2: memref<128x128xf32, #tpu.memory_space<vmem>>, %arg3: memref<1x128xf32, #tpu.memory_space<vmem>>, %arg4: memref<128x128xf32, #tpu.memory_space<vmem>>, %arg5: memref<1x128xf32, #tpu.memory_space<vmem>>, %arg6: memref<2000x128xf32, #tpu.memory_space<vmem>>, %arg7: memref<2000x128xf32, #tpu.memory_space<vmem>>) attributes {dimension_semantics = [#tpu.dimension_semantics<arbitrary>], iteration_bounds = array<i64: 5>, scalar_prefetch = 0 : i64, scratch_operands = 0 : i64, tpu.core_type = #tpu.core_type<tc>, window_params = [{transform_indices = @transform_0, window_bounds = array<i64: 2000, 128>}, {pipeline_mode = #tpu.pipeline_mode<synchronous>, transform_indices = @transform_1, window_bounds = array<i64: 128, 128>}, {pipeline_mode = #tpu.pipeline_mode<synchronous>, transform_indices = @transform_2, window_bounds = array<i64: 1, 128>}, {pipeline_mode = #tpu.pipeline_mode<synchronous>, transform_indices = @transform_3, window_bounds = array<i64: 128, 128>}, {pipeline_mode = #tpu.pipeline_mode<synchronous>, transform_indices = @transform_4, window_bounds = array<i64: 1, 128>}, {transform_indices = @transform_5, window_bounds = array<i64: 2000, 128>}, {transform_indices = @transform_6, window_bounds = array<i64: 2000, 128>}]} {
    %get3A = arith.constant 0 : index
    %get3A_0 = arith.constant 0 : index
    %get3A_1 = vector.load %arg1[%get3A, %get3A_0] : memref<2000x128xf32, #tpu.memory_space<vmem>>, vector<2000x128xf32>
    %neg3A = arith.constant 0.000000e+00 : f32
    %neg3A_2 = vector.broadcast %neg3A : f32 to vector<2000x128xf32>
    %neg3A_3 = arith.subf %neg3A_2, %get3A_1 : vector<2000x128xf32>
    %exp3A = math.exp %neg3A_3 : vector<2000x128xf32>
    %add3A = arith.constant 1.000000e+00 : f32
    %add3A_4 = vector.broadcast %add3A : f32 to vector<2000x128xf32>
    %add3A_5 = arith.addf %add3A_4, %exp3A : vector<2000x128xf32>
    %div3A = arith.divf %get3A_1, %add3A_5 : vector<2000x128xf32>
    %get3A_6 = arith.constant 0 : index
    %get3A_7 = arith.constant 0 : index
    %get3A_8 = vector.load %arg2[%get3A_6, %get3A_7] : memref<128x128xf32, #tpu.memory_space<vmem>>, vector<128x128xf32>
    %dot_general3A = arith.constant dense<0.000000e+00> : vector<2000x128xf32>
    %dot_general3A_9 = tpu.matmul %div3A, %get3A_8, %dot_general3A {dimension_numbers = #tpu.dot_dimension_numbers<[1], [0], [0], [1], [0, 0, 1, 1], [], []>, transpose_lhs_hint = false} : vector<2000x128xf32>, vector<128x128xf32>, vector<2000x128xf32> -> vector<2000x128xf32>
    %get3A_10 = arith.constant 0 : index
    %get3A_11 = arith.constant 0 : index
    %get3A_12 = vector.load %arg3[%get3A_10, %get3A_11] : memref<1x128xf32, #tpu.memory_space<vmem>>, vector<1x128xf32>
    %add3A_13 = vector.broadcast %get3A_12 : vector<1x128xf32> to vector<2000x128xf32>
    %add3A_14 = arith.addf %dot_general3A_9, %add3A_13 : vector<2000x128xf32>
    %neg3A_15 = arith.constant 0.000000e+00 : f32
    %neg3A_16 = vector.broadcast %neg3A_15 : f32 to vector<2000x128xf32>
    %neg3A_17 = arith.subf %neg3A_16, %add3A_14 : vector<2000x128xf32>
    %exp3A_18 = math.exp %neg3A_17 : vector<2000x128xf32>
    %add3A_19 = arith.constant 1.000000e+00 : f32
    %add3A_20 = vector.broadcast %add3A_19 : f32 to vector<2000x128xf32>
    %add3A_21 = arith.addf %add3A_20, %exp3A_18 : vector<2000x128xf32>
    %div3A_22 = arith.divf %add3A_14, %add3A_21 : vector<2000x128xf32>
    %swap3A = arith.constant 0 : index
    %swap3A_23 = arith.constant 0 : index
    %swap3A_24 = vector.load %arg6[%swap3A, %swap3A_23] : memref<2000x128xf32, #tpu.memory_space<vmem>>, vector<2000x128xf32>
    tpu.vector_store %arg6[%swap3A, %swap3A_23], %div3A_22 {strides = array<i32>} : memref<2000x128xf32, #tpu.memory_space<vmem>>, vector<2000x128xf32>,
    %get3A_25 = arith.constant 0 : index
    %get3A_26 = arith.constant 0 : index
    %get3A_27 = vector.load %arg4[%get3A_25, %get3A_26] : memref<128x128xf32, #tpu.memory_space<vmem>>, vector<128x128xf32>
    %dot_general3A_28 = arith.constant dense<0.000000e+00> : vector<2000x128xf32>
    %dot_general3A_29 = tpu.matmul %div3A, %get3A_27, %dot_general3A_28 {dimension_numbers = #tpu.dot_dimension_numbers<[1], [0], [0], [1], [0, 0, 1, 1], [], []>, transpose_lhs_hint = false} : vector<2000x128xf32>, vector<128x128xf32>, vector<2000x128xf32> -> vector<2000x128xf32>
    %get3A_30 = arith.constant 0 : index
    %get3A_31 = arith.constant 0 : index
    %get3A_32 = vector.load %arg5[%get3A_30, %get3A_31] : memref<1x128xf32, #tpu.memory_space<vmem>>, vector<1x128xf32>
    %add3A_33 = vector.broadcast %get3A_32 : vector<1x128xf32> to vector<2000x128xf32>
    %add3A_34 = arith.addf %dot_general3A_29, %add3A_33 : vector<2000x128xf32>
    %neg3A_35 = arith.constant 0.000000e+00 : f32
    %neg3A_36 = vector.broadcast %neg3A_35 : f32 to vector<2000x128xf32>
    %neg3A_37 = arith.subf %neg3A_36, %add3A_34 : vector<2000x128xf32>
    %exp3A_38 = math.exp %neg3A_37 : vector<2000x128xf32>
    %add3A_39 = arith.constant 1.000000e+00 : f32
    %add3A_40 = vector.broadcast %add3A_39 : f32 to vector<2000x128xf32>
    %add3A_41 = arith.addf %add3A_40, %exp3A_38 : vector<2000x128xf32>
    %div3A_42 = arith.divf %add3A_34, %add3A_41 : vector<2000x128xf32>
    %swap3A_43 = arith.constant 0 : index
    %swap3A_44 = arith.constant 0 : index
    %swap3A_45 = vector.load %arg7[%swap3A_43, %swap3A_44] : memref<2000x128xf32, #tpu.memory_space<vmem>>, vector<2000x128xf32>
    tpu.vector_store %arg7[%swap3A_43, %swap3A_44], %div3A_42 {strides = array<i32>} : memref<2000x128xf32, #tpu.memory_space<vmem>>, vector<2000x128xf32>,
    return
  }
  func.func @transform_0(%arg0: i32) -> (i32, i32) {
    %c0_i32 = arith.constant 0 : i32
    %c0_i32_0 = arith.constant 0 : i32
    return %arg0, %c0_i32 : i32, i32
  }
  func.func @transform_1(%arg0: i32) -> (i32, i32) {
    %c0_i32 = arith.constant 0 : i32
    %c0_i32_0 = arith.constant 0 : i32
    %c0_i32_1 = arith.constant 0 : i32
    return %c0_i32, %c0_i32_0 : i32, i32
  }
  func.func @transform_2(%arg0: i32) -> (i32, i32) {
    %c0_i32 = arith.constant 0 : i32
    %c0_i32_0 = arith.constant 0 : i32
    %c0_i32_1 = arith.constant 0 : i32
    return %c0_i32, %c0_i32_0 : i32, i32
  }
  func.func @transform_3(%arg0: i32) -> (i32, i32) {
    %c0_i32 = arith.constant 0 : i32
    %c0_i32_0 = arith.constant 0 : i32
    %c0_i32_1 = arith.constant 0 : i32
    return %c0_i32, %c0_i32_0 : i32, i32
  }
  func.func @transform_4(%arg0: i32) -> (i32, i32) {
    %c0_i32 = arith.constant 0 : i32
    %c0_i32_0 = arith.constant 0 : i32
    %c0_i32_1 = arith.constant 0 : i32
    return %c0_i32, %c0_i32_0 : i32, i32
  }
  func.func @transform_5(%arg0: i32) -> (i32, i32) {
    %c0_i32 = arith.constant 0 : i32
    %c0_i32_0 = arith.constant 0 : i32
    return %arg0, %c0_i32 : i32, i32
  }
  func.func @transform_6(%arg0: i32) -> (i32, i32) {
    %c0_i32 = arith.constant 0 : i32
    %c0_i32_0 = arith.constant 0 : i32
    return %arg0, %c0_i32 : i32, i32
  }
}

module attributes {stable_mosaic.version = 14 : i64} {
  func.func @_post_body(%arg0: i32, %arg1: memref<2000x128xf32, #tpu.memory_space<vmem>>, %arg2: memref<2000x128xf32, #tpu.memory_space<vmem>>, %arg3: memref<2000x128xf32, #tpu.memory_space<vmem>>, %arg4: memref<2000x128xf32, #tpu.memory_space<vmem>>, %arg5: memref<1x128xf32, #tpu.memory_space<vmem>>, %arg6: memref<128x128xf32, #tpu.memory_space<vmem>>, %arg7: memref<1x128xf32, #tpu.memory_space<vmem>>, %arg8: memref<128x128xf32, #tpu.memory_space<vmem>>, %arg9: memref<1x128xf32, #tpu.memory_space<vmem>>, %arg10: memref<128x128xf32, #tpu.memory_space<vmem>>, %arg11: memref<1x128xf32, #tpu.memory_space<vmem>>, %arg12: memref<128x128xf32, #tpu.memory_space<vmem>>, %arg13: memref<1x128xf32, #tpu.memory_space<vmem>>, %arg14: memref<128x128xf32, #tpu.memory_space<vmem>>, %arg15: memref<1x128xf32, #tpu.memory_space<vmem>>, %arg16: memref<128x128xf32, #tpu.memory_space<vmem>>, %arg17: memref<1x128xf32, #tpu.memory_space<vmem>>, %arg18: memref<128x128xf32, #tpu.memory_space<vmem>>, %arg19: memref<1x128xf32, #tpu.memory_space<vmem>>, %arg20: memref<128x128xf32, #tpu.memory_space<vmem>>, %arg21: memref<1x128xf32, #tpu.memory_space<vmem>>, %arg22: memref<128x128xf32, #tpu.memory_space<vmem>>, %arg23: memref<1x128xf32, #tpu.memory_space<vmem>>, %arg24: memref<128x128xf32, #tpu.memory_space<vmem>>, %arg25: memref<1x128xf32, #tpu.memory_space<vmem>>, %arg26: memref<2000x128xf32, #tpu.memory_space<vmem>>, %arg27: memref<2000x128xf32, #tpu.memory_space<vmem>>) attributes {dimension_semantics = [#tpu.dimension_semantics<arbitrary>], iteration_bounds = array<i64: 5>, scalar_prefetch = 0 : i64, scratch_operands = 0 : i64, tpu.core_type = #tpu.core_type<tc>, window_params = [{transform_indices = @transform_0, window_bounds = array<i64: 2000, 128>}, {transform_indices = @transform_1, window_bounds = array<i64: 2000, 128>}, {transform_indices = @transform_2, window_bounds = array<i64: 2000, 128>}, {transform_indices = @transform_3, window_bounds = array<i64: 2000, 128>}, {pipeline_mode = #tpu.pipeline_mode<synchronous>, transform_indices = @transform_4, window_bounds = array<i64: 1, 128>}, {pipeline_mode = #tpu.pipeline_mode<synchronous>, transform_indices = @transform_5, window_bounds = array<i64: 128, 128>}, {pipeline_mode = #tpu.pipeline_mode<synchronous>, transform_indices = @transform_6, window_bounds = array<i64: 1, 128>}, {pipeline_mode = #tpu.pipeline_mode<synchronous>, transform_indices = @transform_7, window_bounds = array<i64: 128, 128>}, {pipeline_mode = #tpu.pipeline_mode<synchronous>, transform_indices = @transform_8, window_bounds = array<i64: 1, 128>}, {pipeline_mode = #tpu.pipeline_mode<synchronous>, transform_indices = @transform_9, window_bounds = array<i64: 128, 128>}, {pipeline_mode = #tpu.pipeline_mode<synchronous>, transform_indices = @transform_10, window_bounds = array<i64: 1, 128>}, {pipeline_mode = #tpu.pipeline_mode<synchronous>, transform_indices = @transform_11, window_bounds = array<i64: 128, 128>}, {pipeline_mode = #tpu.pipeline_mode<synchronous>, transform_indices = @transform_12, window_bounds = array<i64: 1, 128>}, {pipeline_mode = #tpu.pipeline_mode<synchronous>, transform_indices = @transform_13, window_bounds = array<i64: 128, 128>}, {pipeline_mode = #tpu.pipeline_mode<synchronous>, transform_indices = @transform_14, window_bounds = array<i64: 1, 128>}, {pipeline_mode = #tpu.pipeline_mode<synchronous>, transform_indices = @transform_15, window_bounds = array<i64: 128, 128>}, {pipeline_mode = #tpu.pipeline_mode<synchronous>, transform_indices = @transform_16, window_bounds = array<i64: 1, 128>}, {pipeline_mode = #tpu.pipeline_mode<synchronous>, transform_indices = @transform_17, window_bounds = array<i64: 128, 128>}, {pipeline_mode = #tpu.pipeline_mode<synchronous>, transform_indices = @transform_18, window_bounds = array<i64: 1, 128>}, {pipeline_mode = #tpu.pipeline_mode<synchronous>, transform_indices = @transform_19, window_bounds = array<i64: 128, 128>}, {pipeline_mode = #tpu.pipeline_mode<synchronous>, transform_indices = @transform_20, window_bounds = array<i64: 1, 128>}, {pipeline_mode = #tpu.pipeline_mode<synchronous>, transform_indices = @transform_21, window_bounds = array<i64: 128, 128>}, {pipeline_mode = #tpu.pipeline_mode<synchronous>, transform_indices = @transform_22, window_bounds = array<i64: 1, 128>}, {pipeline_mode = #tpu.pipeline_mode<synchronous>, transform_indices = @transform_23, window_bounds = array<i64: 128, 128>}, {pipeline_mode = #tpu.pipeline_mode<synchronous>, transform_indices = @transform_24, window_bounds = array<i64: 1, 128>}, {transform_indices = @transform_25, window_bounds = array<i64: 2000, 128>}, {transform_indices = @transform_26, window_bounds = array<i64: 2000, 128>}]} {
    %get3A = arith.constant 0 : index
    %get3A_0 = arith.constant 0 : index
    %get3A_1 = vector.load %arg6[%get3A, %get3A_0] : memref<128x128xf32, #tpu.memory_space<vmem>>, vector<128x128xf32>
    %get3A_2 = arith.constant 0 : index
    %get3A_3 = arith.constant 0 : index
    %get3A_4 = vector.load %arg7[%get3A_2, %get3A_3] : memref<1x128xf32, #tpu.memory_space<vmem>>, vector<1x128xf32>
    %get3A_5 = arith.constant 0 : index
    %get3A_6 = arith.constant 0 : index
    %get3A_7 = vector.load %arg8[%get3A_5, %get3A_6] : memref<128x128xf32, #tpu.memory_space<vmem>>, vector<128x128xf32>
    %get3A_8 = arith.constant 0 : index
    %get3A_9 = arith.constant 0 : index
    %get3A_10 = vector.load %arg9[%get3A_8, %get3A_9] : memref<1x128xf32, #tpu.memory_space<vmem>>, vector<1x128xf32>
    %get3A_11 = arith.constant 0 : index
    %get3A_12 = arith.constant 0 : index
    %get3A_13 = vector.load %arg10[%get3A_11, %get3A_12] : memref<128x128xf32, #tpu.memory_space<vmem>>, vector<128x128xf32>
    %get3A_14 = arith.constant 0 : index
    %get3A_15 = arith.constant 0 : index
    %get3A_16 = vector.load %arg11[%get3A_14, %get3A_15] : memref<1x128xf32, #tpu.memory_space<vmem>>, vector<1x128xf32>
    %get3A_17 = arith.constant 0 : index
    %get3A_18 = arith.constant 0 : index
    %get3A_19 = vector.load %arg12[%get3A_17, %get3A_18] : memref<128x128xf32, #tpu.memory_space<vmem>>, vector<128x128xf32>
    %get3A_20 = arith.constant 0 : index
    %get3A_21 = arith.constant 0 : index
    %get3A_22 = vector.load %arg13[%get3A_20, %get3A_21] : memref<1x128xf32, #tpu.memory_space<vmem>>, vector<1x128xf32>
    %get3A_23 = arith.constant 0 : index
    %get3A_24 = arith.constant 0 : index
    %get3A_25 = vector.load %arg14[%get3A_23, %get3A_24] : memref<128x128xf32, #tpu.memory_space<vmem>>, vector<128x128xf32>
    %get3A_26 = arith.constant 0 : index
    %get3A_27 = arith.constant 0 : index
    %get3A_28 = vector.load %arg15[%get3A_26, %get3A_27] : memref<1x128xf32, #tpu.memory_space<vmem>>, vector<1x128xf32>
    %get3A_29 = arith.constant 0 : index
    %get3A_30 = arith.constant 0 : index
    %get3A_31 = vector.load %arg16[%get3A_29, %get3A_30] : memref<128x128xf32, #tpu.memory_space<vmem>>, vector<128x128xf32>
    %get3A_32 = arith.constant 0 : index
    %get3A_33 = arith.constant 0 : index
    %get3A_34 = vector.load %arg17[%get3A_32, %get3A_33] : memref<1x128xf32, #tpu.memory_space<vmem>>, vector<1x128xf32>
    %get3A_35 = arith.constant 0 : index
    %get3A_36 = arith.constant 0 : index
    %get3A_37 = vector.load %arg18[%get3A_35, %get3A_36] : memref<128x128xf32, #tpu.memory_space<vmem>>, vector<128x128xf32>
    %get3A_38 = arith.constant 0 : index
    %get3A_39 = arith.constant 0 : index
    %get3A_40 = vector.load %arg19[%get3A_38, %get3A_39] : memref<1x128xf32, #tpu.memory_space<vmem>>, vector<1x128xf32>
    %get3A_41 = arith.constant 0 : index
    %get3A_42 = arith.constant 0 : index
    %get3A_43 = vector.load %arg20[%get3A_41, %get3A_42] : memref<128x128xf32, #tpu.memory_space<vmem>>, vector<128x128xf32>
    %get3A_44 = arith.constant 0 : index
    %get3A_45 = arith.constant 0 : index
    %get3A_46 = vector.load %arg21[%get3A_44, %get3A_45] : memref<1x128xf32, #tpu.memory_space<vmem>>, vector<1x128xf32>
    %get3A_47 = arith.constant 0 : index
    %get3A_48 = arith.constant 0 : index
    %get3A_49 = vector.load %arg22[%get3A_47, %get3A_48] : memref<128x128xf32, #tpu.memory_space<vmem>>, vector<128x128xf32>
    %get3A_50 = arith.constant 0 : index
    %get3A_51 = arith.constant 0 : index
    %get3A_52 = vector.load %arg23[%get3A_50, %get3A_51] : memref<1x128xf32, #tpu.memory_space<vmem>>, vector<1x128xf32>
    %get3A_53 = arith.constant 0 : index
    %get3A_54 = arith.constant 0 : index
    %get3A_55 = vector.load %arg24[%get3A_53, %get3A_54] : memref<128x128xf32, #tpu.memory_space<vmem>>, vector<128x128xf32>
    %get3A_56 = arith.constant 0 : index
    %get3A_57 = arith.constant 0 : index
    %get3A_58 = vector.load %arg25[%get3A_56, %get3A_57] : memref<1x128xf32, #tpu.memory_space<vmem>>, vector<1x128xf32>
    %get3A_59 = arith.constant 0 : index
    %get3A_60 = arith.constant 0 : index
    %get3A_61 = vector.load %arg1[%get3A_59, %get3A_60] : memref<2000x128xf32, #tpu.memory_space<vmem>>, vector<2000x128xf32>
    %get3A_62 = arith.constant 0 : index
    %get3A_63 = arith.constant 0 : index
    %get3A_64 = vector.load %arg2[%get3A_62, %get3A_63] : memref<2000x128xf32, #tpu.memory_space<vmem>>, vector<2000x128xf32>
    %get3A_65 = arith.constant 0 : index
    %get3A_66 = arith.constant 0 : index
    %get3A_67 = vector.load %arg3[%get3A_65, %get3A_66] : memref<2000x128xf32, #tpu.memory_space<vmem>>, vector<2000x128xf32>
    %add3A = arith.addf %get3A_64, %get3A_67 : vector<2000x128xf32>
    %get3A_68 = arith.constant 0 : index
    %get3A_69 = arith.constant 0 : index
    %get3A_70 = vector.load %arg4[%get3A_68, %get3A_69] : memref<2000x128xf32, #tpu.memory_space<vmem>>, vector<2000x128xf32>
    %add3A_71 = arith.addf %add3A, %get3A_70 : vector<2000x128xf32>
    %neg3A = arith.constant 0.000000e+00 : f32
    %neg3A_72 = vector.broadcast %neg3A : f32 to vector<2000x128xf32>
    %neg3A_73 = arith.subf %neg3A_72, %add3A_71 : vector<2000x128xf32>
    %exp3A = math.exp %neg3A_73 : vector<2000x128xf32>
    %add3A_74 = arith.constant 1.000000e+00 : f32
    %add3A_75 = vector.broadcast %add3A_74 : f32 to vector<2000x128xf32>
    %add3A_76 = arith.addf %add3A_75, %exp3A : vector<2000x128xf32>
    %div3A = arith.divf %add3A_71, %add3A_76 : vector<2000x128xf32>
    %dot_general3A = arith.constant dense<0.000000e+00> : vector<2000x128xf32>
    %dot_general3A_77 = tpu.matmul %div3A, %get3A_1, %dot_general3A {dimension_numbers = #tpu.dot_dimension_numbers<[1], [0], [0], [1], [0, 0, 1, 1], [], []>, transpose_lhs_hint = false} : vector<2000x128xf32>, vector<128x128xf32>, vector<2000x128xf32> -> vector<2000x128xf32>
    %add3A_78 = vector.broadcast %get3A_4 : vector<1x128xf32> to vector<2000x128xf32>
    %add3A_79 = arith.addf %dot_general3A_77, %add3A_78 : vector<2000x128xf32>
    %neg3A_80 = arith.constant 0.000000e+00 : f32
    %neg3A_81 = vector.broadcast %neg3A_80 : f32 to vector<2000x128xf32>
    %neg3A_82 = arith.subf %neg3A_81, %add3A_79 : vector<2000x128xf32>
    %exp3A_83 = math.exp %neg3A_82 : vector<2000x128xf32>
    %add3A_84 = arith.constant 1.000000e+00 : f32
    %add3A_85 = vector.broadcast %add3A_84 : f32 to vector<2000x128xf32>
    %add3A_86 = arith.addf %add3A_85, %exp3A_83 : vector<2000x128xf32>
    %div3A_87 = arith.divf %add3A_79, %add3A_86 : vector<2000x128xf32>
    %dot_general3A_88 = arith.constant dense<0.000000e+00> : vector<2000x128xf32>
    %dot_general3A_89 = tpu.matmul %div3A_87, %get3A_7, %dot_general3A_88 {dimension_numbers = #tpu.dot_dimension_numbers<[1], [0], [0], [1], [0, 0, 1, 1], [], []>, transpose_lhs_hint = false} : vector<2000x128xf32>, vector<128x128xf32>, vector<2000x128xf32> -> vector<2000x128xf32>
    %add3A_90 = vector.broadcast %get3A_10 : vector<1x128xf32> to vector<2000x128xf32>
    %add3A_91 = arith.addf %dot_general3A_89, %add3A_90 : vector<2000x128xf32>
    %add3A_92 = arith.addf %add3A_91, %add3A_71 : vector<2000x128xf32>
    %neg3A_93 = arith.constant 0.000000e+00 : f32
    %neg3A_94 = vector.broadcast %neg3A_93 : f32 to vector<2000x128xf32>
    %neg3A_95 = arith.subf %neg3A_94, %add3A_92 : vector<2000x128xf32>
    %exp3A_96 = math.exp %neg3A_95 : vector<2000x128xf32>
    %add3A_97 = arith.constant 1.000000e+00 : f32
    %add3A_98 = vector.broadcast %add3A_97 : f32 to vector<2000x128xf32>
    %add3A_99 = arith.addf %add3A_98, %exp3A_96 : vector<2000x128xf32>
    %div3A_100 = arith.divf %add3A_92, %add3A_99 : vector<2000x128xf32>
    %dot_general3A_101 = arith.constant dense<0.000000e+00> : vector<2000x128xf32>
    %dot_general3A_102 = tpu.matmul %div3A_100, %get3A_13, %dot_general3A_101 {dimension_numbers = #tpu.dot_dimension_numbers<[1], [0], [0], [1], [0, 0, 1, 1], [], []>, transpose_lhs_hint = false} : vector<2000x128xf32>, vector<128x128xf32>, vector<2000x128xf32> -> vector<2000x128xf32>
    %add3A_103 = vector.broadcast %get3A_16 : vector<1x128xf32> to vector<2000x128xf32>
    %add3A_104 = arith.addf %dot_general3A_102, %add3A_103 : vector<2000x128xf32>
    %neg3A_105 = arith.constant 0.000000e+00 : f32
    %neg3A_106 = vector.broadcast %neg3A_105 : f32 to vector<2000x128xf32>
    %neg3A_107 = arith.subf %neg3A_106, %add3A_104 : vector<2000x128xf32>
    %exp3A_108 = math.exp %neg3A_107 : vector<2000x128xf32>
    %add3A_109 = arith.constant 1.000000e+00 : f32
    %add3A_110 = vector.broadcast %add3A_109 : f32 to vector<2000x128xf32>
    %add3A_111 = arith.addf %add3A_110, %exp3A_108 : vector<2000x128xf32>
    %div3A_112 = arith.divf %add3A_104, %add3A_111 : vector<2000x128xf32>
    %dot_general3A_113 = arith.constant dense<0.000000e+00> : vector<2000x128xf32>
    %dot_general3A_114 = tpu.matmul %div3A_112, %get3A_19, %dot_general3A_113 {dimension_numbers = #tpu.dot_dimension_numbers<[1], [0], [0], [1], [0, 0, 1, 1], [], []>, transpose_lhs_hint = false} : vector<2000x128xf32>, vector<128x128xf32>, vector<2000x128xf32> -> vector<2000x128xf32>
    %add3A_115 = vector.broadcast %get3A_22 : vector<1x128xf32> to vector<2000x128xf32>
    %add3A_116 = arith.addf %dot_general3A_114, %add3A_115 : vector<2000x128xf32>
    %add3A_117 = arith.addf %add3A_116, %add3A_92 : vector<2000x128xf32>
    %neg3A_118 = arith.constant 0.000000e+00 : f32
    %neg3A_119 = vector.broadcast %neg3A_118 : f32 to vector<2000x128xf32>
    %neg3A_120 = arith.subf %neg3A_119, %add3A_117 : vector<2000x128xf32>
    %exp3A_121 = math.exp %neg3A_120 : vector<2000x128xf32>
    %add3A_122 = arith.constant 1.000000e+00 : f32
    %add3A_123 = vector.broadcast %add3A_122 : f32 to vector<2000x128xf32>
    %add3A_124 = arith.addf %add3A_123, %exp3A_121 : vector<2000x128xf32>
    %div3A_125 = arith.divf %add3A_117, %add3A_124 : vector<2000x128xf32>
    %get3A_126 = arith.constant 0 : index
    %get3A_127 = arith.constant 0 : index
    %get3A_128 = vector.load %arg5[%get3A_126, %get3A_127] : memref<1x128xf32, #tpu.memory_space<vmem>>, vector<1x128xf32>
    %mul3A = vector.broadcast %get3A_128 : vector<1x128xf32> to vector<2000x128xf32>
    %mul3A_129 = arith.mulf %mul3A, %get3A_61 : vector<2000x128xf32>
    %dot_general3A_130 = arith.constant dense<0.000000e+00> : vector<2000x128xf32>
    %dot_general3A_131 = tpu.matmul %div3A_125, %get3A_25, %dot_general3A_130 {dimension_numbers = #tpu.dot_dimension_numbers<[1], [0], [0], [1], [0, 0, 1, 1], [], []>, transpose_lhs_hint = false} : vector<2000x128xf32>, vector<128x128xf32>, vector<2000x128xf32> -> vector<2000x128xf32>
    %add3A_132 = arith.addf %mul3A_129, %dot_general3A_131 : vector<2000x128xf32>
    %add3A_133 = vector.broadcast %get3A_28 : vector<1x128xf32> to vector<2000x128xf32>
    %add3A_134 = arith.addf %add3A_132, %add3A_133 : vector<2000x128xf32>
    %neg3A_135 = arith.constant 0.000000e+00 : f32
    %neg3A_136 = vector.broadcast %neg3A_135 : f32 to vector<2000x128xf32>
    %neg3A_137 = arith.subf %neg3A_136, %add3A_134 : vector<2000x128xf32>
    %exp3A_138 = math.exp %neg3A_137 : vector<2000x128xf32>
    %add3A_139 = arith.constant 1.000000e+00 : f32
    %add3A_140 = vector.broadcast %add3A_139 : f32 to vector<2000x128xf32>
    %add3A_141 = arith.addf %add3A_140, %exp3A_138 : vector<2000x128xf32>
    %div3A_142 = arith.divf %add3A_134, %add3A_141 : vector<2000x128xf32>
    %dot_general3A_143 = arith.constant dense<0.000000e+00> : vector<2000x128xf32>
    %dot_general3A_144 = tpu.matmul %div3A_142, %get3A_31, %dot_general3A_143 {dimension_numbers = #tpu.dot_dimension_numbers<[1], [0], [0], [1], [0, 0, 1, 1], [], []>, transpose_lhs_hint = false} : vector<2000x128xf32>, vector<128x128xf32>, vector<2000x128xf32> -> vector<2000x128xf32>
    %add3A_145 = vector.broadcast %get3A_34 : vector<1x128xf32> to vector<2000x128xf32>
    %add3A_146 = arith.addf %dot_general3A_144, %add3A_145 : vector<2000x128xf32>
    %neg3A_147 = arith.constant 0.000000e+00 : f32
    %neg3A_148 = vector.broadcast %neg3A_147 : f32 to vector<2000x128xf32>
    %neg3A_149 = arith.subf %neg3A_148, %add3A_146 : vector<2000x128xf32>
    %exp3A_150 = math.exp %neg3A_149 : vector<2000x128xf32>
    %add3A_151 = arith.constant 1.000000e+00 : f32
    %add3A_152 = vector.broadcast %add3A_151 : f32 to vector<2000x128xf32>
    %add3A_153 = arith.addf %add3A_152, %exp3A_150 : vector<2000x128xf32>
    %div3A_154 = arith.divf %add3A_146, %add3A_153 : vector<2000x128xf32>
    %dot_general3A_155 = arith.constant dense<0.000000e+00> : vector<2000x128xf32>
    %dot_general3A_156 = tpu.matmul %div3A_154, %get3A_37, %dot_general3A_155 {dimension_numbers = #tpu.dot_dimension_numbers<[1], [0], [0], [1], [0, 0, 1, 1], [], []>, transpose_lhs_hint = false} : vector<2000x128xf32>, vector<128x128xf32>, vector<2000x128xf32> -> vector<2000x128xf32>
    %add3A_157 = vector.broadcast %get3A_40 : vector<1x128xf32> to vector<2000x128xf32>
    %add3A_158 = arith.addf %dot_general3A_156, %add3A_157 : vector<2000x128xf32>
    %add3A_159 = arith.addf %add3A_158, %add3A_134 : vector<2000x128xf32>
    %swap3A = arith.constant 0 : index
    %swap3A_160 = arith.constant 0 : index
    %swap3A_161 = vector.load %arg27[%swap3A, %swap3A_160] : memref<2000x128xf32, #tpu.memory_space<vmem>>, vector<2000x128xf32>
    tpu.vector_store %arg27[%swap3A, %swap3A_160], %add3A_159 {strides = array<i32>} : memref<2000x128xf32, #tpu.memory_space<vmem>>, vector<2000x128xf32>,
    %neg3A_162 = arith.constant 0.000000e+00 : f32
    %neg3A_163 = vector.broadcast %neg3A_162 : f32 to vector<2000x128xf32>
    %neg3A_164 = arith.subf %neg3A_163, %add3A_159 : vector<2000x128xf32>
    %exp3A_165 = math.exp %neg3A_164 : vector<2000x128xf32>
    %add3A_166 = arith.constant 1.000000e+00 : f32
    %add3A_167 = vector.broadcast %add3A_166 : f32 to vector<2000x128xf32>
    %add3A_168 = arith.addf %add3A_167, %exp3A_165 : vector<2000x128xf32>
    %div3A_169 = arith.divf %add3A_159, %add3A_168 : vector<2000x128xf32>
    %dot_general3A_170 = arith.constant dense<0.000000e+00> : vector<2000x128xf32>
    %dot_general3A_171 = tpu.matmul %div3A_169, %get3A_43, %dot_general3A_170 {dimension_numbers = #tpu.dot_dimension_numbers<[1], [0], [0], [1], [0, 0, 1, 1], [], []>, transpose_lhs_hint = false} : vector<2000x128xf32>, vector<128x128xf32>, vector<2000x128xf32> -> vector<2000x128xf32>
    %add3A_172 = vector.broadcast %get3A_46 : vector<1x128xf32> to vector<2000x128xf32>
    %add3A_173 = arith.addf %dot_general3A_171, %add3A_172 : vector<2000x128xf32>
    %neg3A_174 = arith.constant 0.000000e+00 : f32
    %neg3A_175 = vector.broadcast %neg3A_174 : f32 to vector<2000x128xf32>
    %neg3A_176 = arith.subf %neg3A_175, %add3A_173 : vector<2000x128xf32>
    %exp3A_177 = math.exp %neg3A_176 : vector<2000x128xf32>
    %add3A_178 = arith.constant 1.000000e+00 : f32
    %add3A_179 = vector.broadcast %add3A_178 : f32 to vector<2000x128xf32>
    %add3A_180 = arith.addf %add3A_179, %exp3A_177 : vector<2000x128xf32>
    %div3A_181 = arith.divf %add3A_173, %add3A_180 : vector<2000x128xf32>
    %dot_general3A_182 = arith.constant dense<0.000000e+00> : vector<2000x128xf32>
    %dot_general3A_183 = tpu.matmul %div3A_181, %get3A_49, %dot_general3A_182 {dimension_numbers = #tpu.dot_dimension_numbers<[1], [0], [0], [1], [0, 0, 1, 1], [], []>, transpose_lhs_hint = false} : vector<2000x128xf32>, vector<128x128xf32>, vector<2000x128xf32> -> vector<2000x128xf32>
    %add3A_184 = vector.broadcast %get3A_52 : vector<1x128xf32> to vector<2000x128xf32>
    %add3A_185 = arith.addf %dot_general3A_183, %add3A_184 : vector<2000x128xf32>
    %add3A_186 = arith.addf %add3A_185, %add3A_159 : vector<2000x128xf32>
    %neg3A_187 = arith.constant 0.000000e+00 : f32
    %neg3A_188 = vector.broadcast %neg3A_187 : f32 to vector<2000x128xf32>
    %neg3A_189 = arith.subf %neg3A_188, %add3A_186 : vector<2000x128xf32>
    %exp3A_190 = math.exp %neg3A_189 : vector<2000x128xf32>
    %add3A_191 = arith.constant 1.000000e+00 : f32
    %add3A_192 = vector.broadcast %add3A_191 : f32 to vector<2000x128xf32>
    %add3A_193 = arith.addf %add3A_192, %exp3A_190 : vector<2000x128xf32>
    %div3A_194 = arith.divf %add3A_186, %add3A_193 : vector<2000x128xf32>
    %dot_general3A_195 = arith.constant dense<0.000000e+00> : vector<2000x128xf32>
    %dot_general3A_196 = tpu.matmul %div3A_194, %get3A_55, %dot_general3A_195 {dimension_numbers = #tpu.dot_dimension_numbers<[1], [0], [0], [1], [0, 0, 1, 1], [], []>, transpose_lhs_hint = false} : vector<2000x128xf32>, vector<128x128xf32>, vector<2000x128xf32> -> vector<2000x128xf32>
    %add3A_197 = vector.broadcast %get3A_58 : vector<1x128xf32> to vector<2000x128xf32>
    %add3A_198 = arith.addf %dot_general3A_196, %add3A_197 : vector<2000x128xf32>
    %swap3A_199 = arith.constant 0 : index
    %swap3A_200 = arith.constant 0 : index
    %swap3A_201 = vector.load %arg26[%swap3A_199, %swap3A_200] : memref<2000x128xf32, #tpu.memory_space<vmem>>, vector<2000x128xf32>
    tpu.vector_store %arg26[%swap3A_199, %swap3A_200], %add3A_198 {strides = array<i32>} : memref<2000x128xf32, #tpu.memory_space<vmem>>, vector<2000x128xf32>,
    return
  }
  func.func @transform_0(%arg0: i32) -> (i32, i32) {
    %c0_i32 = arith.constant 0 : i32
    %c0_i32_0 = arith.constant 0 : i32
    return %arg0, %c0_i32 : i32, i32
  }
  func.func @transform_1(%arg0: i32) -> (i32, i32) {
    %c0_i32 = arith.constant 0 : i32
    %c0_i32_0 = arith.constant 0 : i32
    return %arg0, %c0_i32 : i32, i32
  }
  func.func @transform_2(%arg0: i32) -> (i32, i32) {
    %c0_i32 = arith.constant 0 : i32
    %c0_i32_0 = arith.constant 0 : i32
    return %arg0, %c0_i32 : i32, i32
  }
  func.func @transform_3(%arg0: i32) -> (i32, i32) {
    %c0_i32 = arith.constant 0 : i32
    %c0_i32_0 = arith.constant 0 : i32
    return %arg0, %c0_i32 : i32, i32
  }
  func.func @transform_4(%arg0: i32) -> (i32, i32) {
    %c0_i32 = arith.constant 0 : i32
    %c0_i32_0 = arith.constant 0 : i32
    %c0_i32_1 = arith.constant 0 : i32
    return %c0_i32, %c0_i32_0 : i32, i32
  }
  func.func @transform_5(%arg0: i32) -> (i32, i32) {
    %c0_i32 = arith.constant 0 : i32
    %c0_i32_0 = arith.constant 0 : i32
    %c0_i32_1 = arith.constant 0 : i32
    return %c0_i32, %c0_i32_0 : i32, i32
  }
  func.func @transform_6(%arg0: i32) -> (i32, i32) {
    %c0_i32 = arith.constant 0 : i32
    %c0_i32_0 = arith.constant 0 : i32
    %c0_i32_1 = arith.constant 0 : i32
    return %c0_i32, %c0_i32_0 : i32, i32
  }
  func.func @transform_7(%arg0: i32) -> (i32, i32) {
    %c0_i32 = arith.constant 0 : i32
    %c0_i32_0 = arith.constant 0 : i32
    %c0_i32_1 = arith.constant 0 : i32
    return %c0_i32, %c0_i32_0 : i32, i32
  }
  func.func @transform_8(%arg0: i32) -> (i32, i32) {
    %c0_i32 = arith.constant 0 : i32
    %c0_i32_0 = arith.constant 0 : i32
    %c0_i32_1 = arith.constant 0 : i32
    return %c0_i32, %c0_i32_0 : i32, i32
  }
  func.func @transform_9(%arg0: i32) -> (i32, i32) {
    %c0_i32 = arith.constant 0 : i32
    %c0_i32_0 = arith.constant 0 : i32
    %c0_i32_1 = arith.constant 0 : i32
    return %c0_i32, %c0_i32_0 : i32, i32
  }
  func.func @transform_10(%arg0: i32) -> (i32, i32) {
    %c0_i32 = arith.constant 0 : i32
    %c0_i32_0 = arith.constant 0 : i32
    %c0_i32_1 = arith.constant 0 : i32
    return %c0_i32, %c0_i32_0 : i32, i32
  }
  func.func @transform_11(%arg0: i32) -> (i32, i32) {
    %c0_i32 = arith.constant 0 : i32
    %c0_i32_0 = arith.constant 0 : i32
    %c0_i32_1 = arith.constant 0 : i32
    return %c0_i32, %c0_i32_0 : i32, i32
  }
  func.func @transform_12(%arg0: i32) -> (i32, i32) {
    %c0_i32 = arith.constant 0 : i32
    %c0_i32_0 = arith.constant 0 : i32
    %c0_i32_1 = arith.constant 0 : i32
    return %c0_i32, %c0_i32_0 : i32, i32
  }
  func.func @transform_13(%arg0: i32) -> (i32, i32) {
    %c0_i32 = arith.constant 0 : i32
    %c0_i32_0 = arith.constant 0 : i32
    %c0_i32_1 = arith.constant 0 : i32
    return %c0_i32, %c0_i32_0 : i32, i32
  }
  func.func @transform_14(%arg0: i32) -> (i32, i32) {
    %c0_i32 = arith.constant 0 : i32
    %c0_i32_0 = arith.constant 0 : i32
    %c0_i32_1 = arith.constant 0 : i32
    return %c0_i32, %c0_i32_0 : i32, i32
  }
  func.func @transform_15(%arg0: i32) -> (i32, i32) {
    %c0_i32 = arith.constant 0 : i32
    %c0_i32_0 = arith.constant 0 : i32
    %c0_i32_1 = arith.constant 0 : i32
    return %c0_i32, %c0_i32_0 : i32, i32
  }
  func.func @transform_16(%arg0: i32) -> (i32, i32) {
    %c0_i32 = arith.constant 0 : i32
    %c0_i32_0 = arith.constant 0 : i32
    %c0_i32_1 = arith.constant 0 : i32
    return %c0_i32, %c0_i32_0 : i32, i32
  }
  func.func @transform_17(%arg0: i32) -> (i32, i32) {
    %c0_i32 = arith.constant 0 : i32
    %c0_i32_0 = arith.constant 0 : i32
    %c0_i32_1 = arith.constant 0 : i32
    return %c0_i32, %c0_i32_0 : i32, i32
  }
  func.func @transform_18(%arg0: i32) -> (i32, i32) {
    %c0_i32 = arith.constant 0 : i32
    %c0_i32_0 = arith.constant 0 : i32
    %c0_i32_1 = arith.constant 0 : i32
    return %c0_i32, %c0_i32_0 : i32, i32
  }
  func.func @transform_19(%arg0: i32) -> (i32, i32) {
    %c0_i32 = arith.constant 0 : i32
    %c0_i32_0 = arith.constant 0 : i32
    %c0_i32_1 = arith.constant 0 : i32
    return %c0_i32, %c0_i32_0 : i32, i32
  }
  func.func @transform_20(%arg0: i32) -> (i32, i32) {
    %c0_i32 = arith.constant 0 : i32
    %c0_i32_0 = arith.constant 0 : i32
    %c0_i32_1 = arith.constant 0 : i32
    return %c0_i32, %c0_i32_0 : i32, i32
  }
  func.func @transform_21(%arg0: i32) -> (i32, i32) {
    %c0_i32 = arith.constant 0 : i32
    %c0_i32_0 = arith.constant 0 : i32
    %c0_i32_1 = arith.constant 0 : i32
    return %c0_i32, %c0_i32_0 : i32, i32
  }
  func.func @transform_22(%arg0: i32) -> (i32, i32) {
    %c0_i32 = arith.constant 0 : i32
    %c0_i32_0 = arith.constant 0 : i32
    %c0_i32_1 = arith.constant 0 : i32
    return %c0_i32, %c0_i32_0 : i32, i32
  }
  func.func @transform_23(%arg0: i32) -> (i32, i32) {
    %c0_i32 = arith.constant 0 : i32
    %c0_i32_0 = arith.constant 0 : i32
    %c0_i32_1 = arith.constant 0 : i32
    return %c0_i32, %c0_i32_0 : i32, i32
  }
  func.func @transform_24(%arg0: i32) -> (i32, i32) {
    %c0_i32 = arith.constant 0 : i32
    %c0_i32_0 = arith.constant 0 : i32
    %c0_i32_1 = arith.constant 0 : i32
    return %c0_i32, %c0_i32_0 : i32, i32
  }
  func.func @transform_25(%arg0: i32) -> (i32, i32) {
    %c0_i32 = arith.constant 0 : i32
    %c0_i32_0 = arith.constant 0 : i32
    return %arg0, %c0_i32 : i32, i32
  }
  func.func @transform_26(%arg0: i32) -> (i32, i32) {
    %c0_i32 = arith.constant 0 : i32
    %c0_i32_0 = arith.constant 0 : i32
    return %arg0, %c0_i32 : i32, i32
  }
}

</mosaic_0001>

<sc_bundles>
// kernel: kernel.6.cloned.1.call-start
scs
__scs_entry_jumppad:
0x0: {  	(pc) =	sbr.rel $0x88, $3  }
0x1: {  	(tag) =	ssettag $0x0;
	lr =	simm.s32 $0x1  }
0x2: {  	[smem:$0x3F86] =	sst lr;
	_ =	strace $0xD0000000  }
0x3: {  	_ = 	snop  }
0x4: {  	_ = 	snop  }
0x5: {  	_ = 	snop  }
0x6: {  	_ = 	snop  }
0x7: {  	_ = 	snop  }
__scs_overlays_trampoline_lowered:
0x8: {  	[smem:$0x3F95] =	sst s0  }
0x9: {  	[smem:$0x3F96] =	sst s1  }
0xa: {  	[smem:$0x3F97] =	sst s2  }
0xb: {  	[smem:$0x3F98] =	sst s3  }
0xc: {  	[smem:$0x3F99] =	sst s4  }
0xd: {  	[smem:$0x3F9A] =	sst s5  }
0xe: {  	[smem:$0x3F9B] =	sst s6  }
0xf: {  	[smem:$0x3F9C] =	sst s7  }
0x10: {  	[smem:$0x3F9D] =	sst s8  }
0x11: {  	[smem:$0x3F9E] =	sst s9;
	s0 =	simm.s32 @!p0 $0x0  }
0x12: {  	s1 =	sld [smem:$0x3F84];
	s0 =	simm.s32 @p0 $0x1  }
0x13: {  	[smem:$0x3F9F] =	sst s0;
	s0 =	simm.s32 @!p1 $0x0  }
0x14: {  	s2 =	sld [smem:$0x3F83];
	s0 =	simm.s32 @p1 $0x1  }
0x15: {  	[smem:$0x3FA0] =	sst s0;
	s0 =	simm.s32 @!p2 $0x0  }
0x16: {  	s3 =	sld [smem:$0x3FDB];
	s0 =	simm.s32 @p2 $0x1  }
0x17: {  	s4 =	simm.s32 $0x1BF5;
	[smem:$0x3FA2] =	sst s0  }
0x18: {  	s0 =	sld [smem:$0x3F85];
	_ =	swait.ge [sflag:s4], $0x0  }
0x19: {  	s7 =	sld [smem:$0x3F86]  }
0x1a: {  	s8 =	sadd.s32 $0xFFFFE003, lr  }
0x1b: {  	s9 =	sadd.s32 $0xFFFFFEF7, lr;
	s5 =	simm.s32 $0xFFFFFFFF;
	p2 =	slt.u32 s8, $0xFFFFF086  }
0x1c: {  	p1 =	slt.u32 s9, $0xF7A;
	s5 =	simm.s32 @!p2 $0x0  }
0x1d: {  	s5 =	simm.s32 @p1 $0x1;
	p0 =	seq.s32 s7, s2  }
0x1e: {  	s7 =	smul.u32 @!p0 $0xF7A, s2;
	p2 =	seq.s32 @!p0 s5, $0x0  }
0x1f: {  	s9 =	smul.u32 $0xF7A, s1;
	s8 =	simm.s32 @!p0 $0x1BF5;
	p2 =	por !p2, p0  }
0x20: {  	[sflag:s8] =	ssyncset.s32 @!p0 $0xFFFFF086;
	s6 =	sadd.s32 @!p0 s3, s7;
	s7 =	simm.s32 @!p0 $0x108  }
0x21: {  	s3 =	sadd.s32 s3, s9;
	s6 =	sadd.s32 @!p0 $0x88, s6;
	s7 =	simm.s32 @p2 $0x1082  }
0x22: {  	[simem:s7], [sflag:s8] =	dma.local @!p0 [hbm:s6], $0xF7A  }
0x23: {  	s9 =	sor.u32 $0xD0000000, s2;
	s6 =	simm.s32 $0x108;
	_ =	swait.ge @!p0 [sflag:s8], $0x0  }
0x24: {  	s3 =	sadd.s32 $0x88, s3;
	s6 =	simm.s32 @!p1 $0x1082;
	[sflag:s4] =	ssyncset.s32 $0xFFFFF086  }
0x25: {  	[simem:s6], [sflag:s4] =	dma.local [hbm:s3], $0xF7A  }
0x26: {  	[smem:$0x3F86] =	sst s1;
	(tag) =	ssettag s2;
	_ =	strace s9  }
0x27: {  	s1 =	sld [smem:$0x3F96]  }
0x28: {  	s2 =	sld [smem:$0x3F97]  }
0x29: {  	s4 =	sld [smem:$0x3F99]  }
0x2a: {  	p0 =	seq.s32 s5, $0x0;
	s5 =	sld [smem:$0x3F9A]  }
0x2b: {  	s6 =	sld [smem:$0x3F9B]  }
0x2c: {  	s7 =	sld [smem:$0x3F9C]  }
0x2d: {  	s3 =	simm.s32 $0x108;
	s8 =	sld [smem:$0x3F9D]  }
0x2e: {  	s3 =	simm.s32 @!p0 $0x1082;
	s9 =	sld [smem:$0x3F9E]  }
0x2f: {  	lr =	sadd.s32 s0, s3;
	s0 =	sld [smem:$0x3F95]  }
0x30: {  	s3 =	sld [smem:$0x3F98]  }
0x31: {  	[smem:$0x3FA1] =	sst s10  }
0x32: {  	s10 =	sld [smem:$0x3F9F];
	_ =	sdelay $0x3  }
0x33: {  	p0 =	seq.s32 s10, $0x1;
	s10 =	sld [smem:$0x3FA1];
	_ =	sdelay $0x3  }
0x34: {  	[smem:$0x3FA1] =	sst s10  }
0x35: {  	s10 =	sld [smem:$0x3FA0];
	_ =	sdelay $0x3  }
0x36: {  	p1 =	seq.s32 s10, $0x1;
	s10 =	sld [smem:$0x3FA1];
	_ =	sdelay $0x3  }
0x37: {  	[smem:$0x3FA1] =	sst s10  }
0x38: {  	s10 =	sld [smem:$0x3FA2]  }
0x39: {  	_ = 	snop;
	(pc) =	sbr.ind lr, $3  }
0x3a: {  	_ = 	snop  }
0x3b: {  	_ = 	snop  }
0x3c: {  	p2 =	seq.s32 s10, $0x1;
	s10 =	sld [smem:$0x3FA1]  }
0x3d: {  	_ =	shalt  }
0x3e: {  	_ =	shalt  }
0x3f: {  	_ =	shalt  }
0x40: {  	_ =	shalt  }
0x41: {  	_ =	shalt  }
0x42: {  	_ =	shalt  }
0x43: {  	_ =	shalt  }
0x44: {  	_ =	shalt  }
0x45: {  	_ =	shalt  }
0x46: {  	_ =	shalt  }
0x47: {  	_ =	shalt  }
0x48: {  	_ =	shalt  }
0x49: {  	_ =	shalt  }
0x4a: {  	_ =	shalt  }
0x4b: {  	_ =	shalt  }
0x4c: {  	_ =	shalt  }
0x4d: {  	_ =	shalt  }
0x4e: {  	_ =	shalt  }
0x4f: {  	_ =	shalt  }
0x50: {  	_ =	shalt  }
0x51: {  	_ =	shalt  }
0x52: {  	_ =	shalt  }
0x53: {  	_ =	shalt  }
0x54: {  	_ =	shalt  }
0x55: {  	_ =	shalt  }
0x56: {  	_ =	shalt  }
0x57: {  	_ =	shalt  }
0x58: {  	_ =	shalt  }
0x59: {  	_ =	shalt  }
0x5a: {  	_ =	shalt  }
0x5b: {  	_ =	shalt  }
0x5c: {  	_ =	shalt  }
0x5d: {  	_ =	shalt  }
0x5e: {  	_ =	shalt  }
0x5f: {  	_ =	shalt  }
0x60: {  	_ =	shalt  }
0x61: {  	_ =	shalt  }
0x62: {  	_ =	shalt  }
0x63: {  	_ =	shalt  }
0x64: {  	_ =	shalt  }
0x65: {  	_ =	shalt  }
0x66: {  	_ =	shalt  }
0x67: {  	_ =	shalt  }
0x68: {  	_ =	shalt  }
0x69: {  	_ =	shalt  }
0x6a: {  	_ =	shalt  }
0x6b: {  	_ =	shalt  }
0x6c: {  	_ =	shalt  }
0x6d: {  	_ =	shalt  }
0x6e: {  	_ =	shalt  }
0x6f: {  	_ =	shalt  }
0x70: {  	_ =	shalt  }
0x71: {  	_ =	shalt  }
0x72: {  	_ =	shalt  }
0x73: {  	_ =	shalt  }
0x74: {  	_ =	shalt  }
0x75: {  	_ =	shalt  }
0x76: {  	_ =	shalt  }
0x77: {  	_ =	shalt  }
0x78: {  	_ =	shalt  }
0x79: {  	_ =	shalt  }
0x7a: {  	_ =	shalt  }
0x7b: {  	_ =	shalt  }
0x7c: {  	_ =	shalt  }
0x7d: {  	_ =	shalt  }
0x7e: {  	_ =	shalt  }
0x7f: {  	_ =	shalt  }
0x80: {  	_ =	shalt  }
0x81: {  	_ =	shalt  }
0x82: {  	_ =	shalt  }
0x83: {  	_ =	shalt  }
0x84: {  	_ =	shalt  }
0x85: {  	_ =	shalt  }
0x86: {  	_ =	shalt  }
0x87: {  	_ =	shalt  }
.Lfunc_end0:
.L_simem_size_0:
called_computation_lowered:
.L_overlay_start_0:
0x88: {  	s2 =	sld [smem:$0x3FD9]  }
0x89: {  	s3 =	sld [smem:$0x3FFE];
	_ =	sdelay $0x1  }
0x8a: {  	s1 =	srdreg.scid  }
0x8b: {  	s0 =	sand.u32 $0x1, s1  }
0x8c: {  	s14 =	sshll.u32 s0, $0xA;
	s2 =	sadd.s32 s3, s2  }
0x8d: {  	s2 =	sadd.s32 s2, s14  }
0x8e: {  	[smem:$0x3FAD] =	sst s2  }
0x8f: {  	_ = 	snop  }
0x90: {  	s2 =	sld [smem:$0x3FD0];
	_ =	sdelay $0x1  }
0x91: {  	s15 =	sld [smem:$0x3FC7]  }
0x92: {  	s5 =	simm.s32 $0xA;
	s6 =	simm.s32 $0x10;
	s4 =	sld [smem:$0x3FC6]  }
0x93: {  	[smem:s6], [sflag:s5] =	dma.local [hbm:s2], $0x1  }
0x94: {  	_ =	swait.eq [sflag:s5], $0x1  }
0x95: {  	[sflag:s5] =	ssyncset.done $0x0  }
0x96: {  	[sflag:s5] =	ssyncadd.s32 $0xFFFFFFFF  }
0x97: {  	s16 =	sld [smem:$0x11];
	(tm) =	ssettm $0x1  }
0x98: {  	s17 =	sld [smem:$0x3FFB];
	_ =	sdelay $0x3  }
0x99: {  	_ =	strace s17  }
0x9a: {  	s5 =	sld [smem:$0x3FFC];
	_ =	sdelay $0x3  }
0x9b: {  	_ =	strace s5  }
0x9c: {  	s5 =	sld [smem:$0x3FFD];
	_ =	sdelay $0x3  }
0x9d: {  	_ =	strace s5  }
0x9e: {  	_ =	strace $0x8FFFFFFF  }
0x9f: {  	s18 =	sld [smem:$0x3FDB];
	_ =	sdelay $0x1  }
0xa0: {  	s19 =	simm.s32 $_scs_section_size  }
0xa1: {  	s7 =	simm.s32 $_size__tile_overlayer_lowered;
	s8 =	simm.s32 $_tile_overlayer_lowered  }
0xa2: {  	s22 =	simm.s32 $0x1BFF;
	s21 =	sshll.u32 s8, $0x1;
	s5 =	sadd.s32 s19, s18  }
0xa3: {  	s9 =	simm.s32 $0x0;
	s20 =	sshll.u32 s7, $0x1;
	s7 =	sadd.s32 s21, s5  }
0xa4: {  	[timem:s9], [sflag:s22] =	dma.local [hbm:s7], s20  }
0xa5: {  	_ =	swait.ge [sflag:s22], s20  }
0xa6: {  	s6 =	ssub.s32 $0x0, s20;
	[sflag:s22] =	ssyncset.done $0x0  }
0xa7: {  	[sflag:s22] =	ssyncadd.s32 s6;
	_ =	sdelay $0x1  }
0xa8: {  	s23 =	simm.s32 $0x1B8B  }
0xa9: {  	_ =	swait.ge [sflag:s23], $0x1  }
0xaa: {  	[sflag:s23] =	ssyncset.done $0x0  }
0xab: {  	s25 =	simm.s32 $0x1B8E;
	s24 =	sld [smem:$0x3FFE];
	[sflag:s23] =	ssyncadd.s32 $0xFFFFFFFF  }
0xac: {  	s26 =	simm.s32 $execute0_lowered;
	[smem:$0x3FD2] =	sst s25  }
0xad: {  	s7 =	sshll.u32 s26, $0x1;
	_ =	strace $0x80000046;
	[dreg:$0x1] =	wrdreg $0xFFFFFFFF  }
0xae: {  	s28 =	simm.s32 $_size_execute0_lowered;
	s5 =	sadd.s32 s5, s7;
	[dreg:$0x0] =	wrdreg $0x0  }
0xaf: {  	s7 =	sshll.u32 s28, $0x1;
	[dreg:$0x2] =	wrdreg s5  }
0xb0: {  	[dreg:$0x3] =	wrdreg s7  }
0xb1: {  	[dreg:$0x4] =	wrdreg $0xC0  }
0xb2: {  	_ =	task [dreg:s9], $0x5FFFF  }
0xb3: {  	[dreg:$0x1] =	wrdreg $0xFFFFFFFF  }
0xb4: {  	[dreg:$0x0] =	wrdreg $0x60  }
0xb5: {  	[dreg:$0x2] =	wrdreg s16  }
0xb6: {  	[dreg:$0x3] =	wrdreg s24  }
0xb7: {  	[dreg:$0x4] =	wrdreg s15  }
0xb8: {  	[dreg:$0x5] =	wrdreg s4  }
0xb9: {  	[dreg:$0x6] =	wrdreg $0x91000  }
0xba: {  	[dreg:$0x7] =	wrdreg $0x9  }
0xbb: {  	_ =	task.clear_ibuf [dreg:s9], $0x8FFFF;
	_ =	strace $0x90000046  }
0xbc: {  	s29 =	simm.s32 $0x9;
	_ =	strace $0x80000048  }
0xbd: {  	_ =	swait.ge [sflag:s29], $0x1  }
0xbe: {  	[sflag:s29] =	ssyncadd.s32 $0xFFFFFFFF  }
0xbf: {  	_ =	strace $0x90000048  }
0xc0: {  	_ =	sfence  }
0xc1: {  	s30 =	sld [smem:$0x0];
	_ =	sdelay $0x2  }
0xc2: {  	s31 =	sshll.u32 s1, $0xD;
	s1 =	sshrl.u32 s1, $0x2  }
0xc3: {  	s3 =	sand.u32 $0x4000, s31;
	s1 =	sadd.s32 s1, s30  }
0xc4: {  	s0 =	sor.u32 s3, s0;
	s1 =	sshll.u32 s1, $0x11  }
0xc5: {  	s0 =	sor.u32 s1, s0  }
0xc6: {  	s0 =	sadd.s32 $0x8F2B, s0  }
0xc7: {  	[sflag:s0] =	ssyncadd.remote.s32 $0x1  }
0xc8: {  	_ =	sfence.sel $0xFFFF  }
0xc9: {  	[dreg:$0x0] =	wrdreg $0xFFFFFFFF;
	(pc) =	sbr.abs _section_cstart, $3  }
0xca: {  	[dreg:$0x1] =	wrdreg $0xFFFFFFFF  }
0xcb: {  	_ =	task.clear_ibuf [dreg:s9], $0x2FFFF;
	_ =	strace $0x9FFFFFFF  }
0xcc: {  	(tm) =	ssettm $0x7FFFFFFF  }
0xcd: {  	_ =	shalt  }
tec
execute0_lowered:
.L_overlay_start_1:
0x0: {  	(tag) =	ssettag $0x1  }
0x1: {  	s0 =	rddreg [dreg:$0x0]  }
0x2: {  	s8 =	rddreg [dreg:$0x1]  }
0x3: {  	s2 =	rddreg [dreg:$0x2]  }
0x4: {  	s4 =	rddreg [dreg:$0x3];
	s3 =	srdreg.scid  }
0x5: {  	s1 =	stileid.u32;
	s5 =	rddreg [dreg:$0x4]  }
0x6: {  	s6 =	simm.s32 $0x0;
	s16 =	simm.s32 $0x5100;
	s17 =	simm.s32 $0x2  }
0x7: {  	s18 =	simm.s32 $0x80;
	s19 =	simm.s32 $0x50;
	s20 =	simm.s32 $0x2900  }
0x8: {  	s21 =	simm.s32 $0x1;
	s22 =	simm.s32 $0x100;
	s7 =	smul.u32 $0x2800, s1  }
0x9: {  	s9 =	sand.u32 $0x1, s3;
	s3 =	rddreg [dreg:$0x5];
	s11 =	smul.u32 $0x50000, s1  }
0xa: {  	s23 =	simm.s32 $0x0;
	[smem:$0x7FF] =	sst s6;
	s10 =	smul.u32 $0x28000, s9  }
0xb: {  	_ =	strace $0x80000047;
	s30 =	ssub.s32 $0x2, s9;
	s9 =	sshll.u32 s9, $0x4  }
0xc: {  	s31 =	sshrl.u32 s30, $0x1;
	s11 =	sshrl.u32 s11, $0x2;
	s13 =	sor.u32 s1, s9  }
0xd: {  	s10 =	sadd.s32 s7, s10;
	s7 =	sadd.s32 $0x4E7600, s8;
	s15 =	ssub.s32 s30, s31  }
0xe: {  	s13 =	smul.u32 $0x2710, s13;
	s14 =	sadd.s32 s10, s8;
	s8 =	sadd.s32 s11, s5  }
0xf: {  	s15 =	smax.u32 s15, $0x1;
	s9 =	sadd.s32 $0x4000, s8;
	s10 =	sadd.s32 $0x8000, s8  }
0x10: {  	v0 =	vimm.f32 $0.0e+00;
	s11 =	sadd.s32 $0xC000, s8;
	s12 =	sadd.s32 $0x10000, s8;
	s14 =	sadd.s32 $0x5600, s14  }
.LBB2_1:
0x11: {  	s24 =	simm.s32 $0x0;
	s25 =	simm.s32 $0x200  }
.LBB2_2:
0x12: {  	p0 =	sne.s32 s25, $0xFE00;
	[tilespmem:s24+$0x5170] =	vst v0  }
0x13: {  	[tilespmem:s24+$0x5100] =	vst v0  }
0x14: {  	[tilespmem:s24+$0x5110] =	vst v0  }
.Ltmp0:
0x15: {  	[tilespmem:s24+$0x5120] =	vst v0;
	(pc) =	sbr.rel @p0 .LBB2_2-.Ltmp0, $4  }
0x16: {  	[tilespmem:s24+$0x5130] =	vst v0  }
0x17: {  	[tilespmem:s24+$0x5140] =	vst v0  }
0x18: {  	[tilespmem:s24+$0x5150] =	vst v0  }
0x19: {  	[tilespmem:s24+$0x5160] =	vst v0;
	s24 =	sshra.s32 s25, $0x2;
	s25 =	sadd.s32 $0x200, s25  }
0x1a: {  	[tilespmem:s24+$0x5170] =	vst v0  }
0x1b: {  	[tilespmem:s24+$0x5100] =	vst v0  }
0x1c: {  	[tilespmem:s24+$0x5110] =	vst v0  }
0x1d: {  	[tilespmem:s24+$0x5120] =	vst v0  }
0x1e: {  	[tilespmem:s24+$0x5130] =	vst v0  }
0x1f: {  	[tilespmem:s24+$0x5140] =	vst v0  }
0x20: {  	[tilespmem:s24+$0x5150] =	vst v0  }
0x21: {  	[tilespmem:s24+$0x5160] =	vst v0  }
0x22: {  	[spmem:s8] =	stream.linear.scatter [tilespmem:s16], [sflag:$0x2], $0x4000, $0x38;
	[tilespmem:$0x1D100] =	vst v63  }
0x23: {  	_ =	swait.ge [sflag:s17], $0x4000  }
0x24: {  	[sflag:s17] =	ssyncset.done $0x0  }
0x25: {  	[sflag:s17] =	ssyncadd.s32 $0xFFFFC000  }
0x26: {  	[spmem:s9] =	stream.linear.scatter [tilespmem:s16], [sflag:$0x2], $0x4000, $0x38;
	[tilespmem:$0x1D100] =	vst v63  }
0x27: {  	_ =	swait.ge [sflag:s17], $0x4000  }
0x28: {  	[sflag:s17] =	ssyncset.done $0x0  }
0x29: {  	[sflag:s17] =	ssyncadd.s32 $0xFFFFC000  }
0x2a: {  	[spmem:s10] =	stream.linear.scatter [tilespmem:s16], [sflag:$0x2], $0x4000, $0x38;
	[tilespmem:$0x1D100] =	vst v63  }
0x2b: {  	_ =	swait.ge [sflag:s17], $0x4000  }
0x2c: {  	[sflag:s17] =	ssyncset.done $0x0  }
0x2d: {  	[sflag:s17] =	ssyncadd.s32 $0xFFFFC000  }
0x2e: {  	[spmem:s11] =	stream.linear.scatter [tilespmem:s16], [sflag:$0x2], $0x4000, $0x38;
	[tilespmem:$0x1D100] =	vst v63  }
0x2f: {  	_ =	swait.ge [sflag:s17], $0x4000  }
0x30: {  	[sflag:s17] =	ssyncset.done $0x0  }
0x31: {  	[sflag:s17] =	ssyncadd.s32 $0xFFFFC000  }
0x32: {  	[spmem:s12] =	stream.linear.scatter [tilespmem:s16], [sflag:$0x2], $0x4000, $0x38;
	[tilespmem:$0x1D100] =	vst v63  }
0x33: {  	_ =	swait.ge [sflag:s17], $0x4000  }
0x34: {  	[sflag:s17] =	ssyncset.done $0x0  }
0x35: {  	[sflag:s17] =	ssyncadd.s32 $0xFFFFC000  }
0x36: {  	s24 =	simm.s32 $0x0;
	s25 =	simm.s32 $0x0;
	[bflag:$0x0] =	sbarrier.arrive $0xFFFF  }
.LBB2_4:
0x37: {  	s26 =	smul.u32 $0x50, s25;
	_ =	sdelay $0x1  }
0x38: {  	s26 =	sadd.s32 s13, s26  }
0x39: {  	s28 =	sshrl.u32 s26, $0x3  }
0x3a: {  	s29 =	sadd.s32 s2, s28  }
0x3b: {  	[tilespmem:s24], [sflag:$0x2] =	stream.linear.gather [hbm4b:s29+s24], $0x50, $0x38;
	[tilespmem:$0x1D100] =	vst v63  }
0x3c: {  	_ =	swait.ge [sflag:s17], $0x50  }
0x3d: {  	[sflag:s17] =	ssyncset.done $0x0  }
0x3e: {  	s28 =	sadd.s32 s4, s28;
	[sflag:s17] =	ssyncadd.s32 $0xFFFFFFB0  }
0x3f: {  	[tilespmem:s18], [sflag:$0x2] =	stream.linear.gather [hbm4b:s28+s24], $0x50, $0x38;
	[tilespmem:$0x1D100] =	vst v63  }
0x40: {  	_ =	swait.ge [sflag:s17], $0x50  }
0x41: {  	[sflag:s17] =	ssyncset.done $0x0  }
0x42: {  	[sflag:s17] =	ssyncadd.s32 $0xFFFFFFB0  }
0x43: {  	[tilespmem:s20], [sflag:$0x1] =	stream.indirect.gather [hbm4b:s0+s19], $0x80, s18, s19, $0xb8;
	[tilespmem:$0x1D100] =	vst v63  }
0x44: {  	_ =	swait.ge [sflag:s21], $0x2800  }
0x45: {  	s26 =	sshll.u32 s26, $0x4;
	[sflag:s21] =	ssyncset.done $0x0  }
0x46: {  	s26 =	sadd.s32 s7, s26;
	[sflag:s21] =	ssyncadd.s32 $0xFFFFD800  }
0x47: {  	[tilespmem:s22], [sflag:$0x2] =	stream.linear.gather [hbm4b:s26+s24], $0x2800, $0x38;
	[tilespmem:$0x1D100] =	vst v63  }
0x48: {  	_ =	swait.ge [sflag:s17], $0x2800  }
0x49: {  	[sflag:s17] =	ssyncset.done $0x0  }
0x4a: {  	s26 =	simm.s32 $0x0;
	[sflag:s17] =	ssyncadd.s32 $0xFFFFD800  }
0x4b: {  	v8 =	vld [tilespmem:s26+$0x100]  }
0x4c: {  	v12 =	vld [tilespmem:s26+$0x110]  }
0x4d: {  	v6 =	vld [tilespmem:s26+$0x120]  }
0x4e: {  	v5 =	vld [tilespmem:s26+$0x130]  }
0x4f: {  	v4 =	vld [tilespmem:s26+$0x140]  }
0x50: {  	v3 =	vld [tilespmem:s26+$0x150]  }
0x51: {  	v2 =	vld [tilespmem:s26+$0x160]  }
0x52: {  	v1 =	vld [tilespmem:s26+$0x170]  }
0x53: {  	v13 =	vld [tilespmem:s26+$0x2900]  }
0x54: {  	v14 =	vld [tilespmem:s26+$0x2910]  }
0x55: {  	v11 =	vld [tilespmem:s26+$0x2920]  }
0x56: {  	v10 =	vld [tilespmem:s26+$0x2930]  }
0x57: {  	v9 =	vld [tilespmem:s26+$0x2940]  }
0x58: {  	v7 =	vld [tilespmem:s26+$0x2950];
	v13 =	vmul.f32 v8, v13  }
0x59: {  	s28 =	simm.s32 $0x200;
	v12 =	vmul.f32 v12, v14;
	v8 =	vld [tilespmem:s26+$0x2960]  }
.LBB2_5:
0x5a: {  	s29 =	sshra.s32 s28, $0x2;
	p0 =	sne.s32 s28, $0x9E00;
	[tilespmem:s26+$0x2900] =	vst v13;
	v6 =	vmul.f32 v6, v11;
	v11 =	vld [tilespmem:s26+$0x2970]  }
0x5b: {  	v13 =	vld [tilespmem:s29+$0x100];
	[tilespmem:s26+$0x2910] =	vst v12;
	v5 =	vmul.f32 v5, v10  }
0x5c: {  	v12 =	vld [tilespmem:s29+$0x110];
	[tilespmem:s26+$0x2920] =	vst v6;
	v4 =	vmul.f32 v4, v9  }
0x5d: {  	v6 =	vld [tilespmem:s29+$0x120];
	[tilespmem:s26+$0x2930] =	vst v5;
	v3 =	vmul.f32 v3, v7  }
0x5e: {  	v5 =	vld [tilespmem:s29+$0x130];
	[tilespmem:s26+$0x2940] =	vst v4;
	v2 =	vmul.f32 v2, v8  }
0x5f: {  	v4 =	vld [tilespmem:s29+$0x140];
	[tilespmem:s26+$0x2950] =	vst v3;
	v1 =	vmul.f32 v1, v11  }
0x60: {  	v3 =	vld [tilespmem:s29+$0x150];
	[tilespmem:s26+$0x2960] =	vst v2  }
0x61: {  	v2 =	vld [tilespmem:s29+$0x160];
	[tilespmem:s26+$0x2970] =	vst v1;
	s26 =	smov.u32 s29  }
0x62: {  	v1 =	vld [tilespmem:s26+$0x170]  }
0x63: {  	v7 =	vld [tilespmem:s26+$0x2900]  }
0x64: {  	v8 =	vld [tilespmem:s26+$0x2910]  }
.Ltmp1:
0x65: {  	v11 =	vld [tilespmem:s26+$0x2920];
	(pc) =	sbr.rel @p0 .LBB2_5-.Ltmp1, $4  }
0x66: {  	v10 =	vld [tilespmem:s26+$0x2930]  }
0x67: {  	v9 =	vld [tilespmem:s26+$0x2940]  }
0x68: {  	v13 =	vmul.f32 v13, v7;
	v7 =	vld [tilespmem:s26+$0x2950]  }
0x69: {  	s28 =	sadd.s32 $0x200, s28;
	v12 =	vmul.f32 v12, v8;
	v8 =	vld [tilespmem:s26+$0x2960]  }
0x6a: {  	[tilespmem:s26+$0x2900] =	vst v13;
	v6 =	vmul.f32 v6, v11;
	v63 =	vld [tilespmem:s26+$0x2970]  }
0x6b: {  	[tilespmem:s26+$0x2910] =	vst v12;
	v5 =	vmul.f32 v5, v10  }
0x6c: {  	[tilespmem:s26+$0x2920] =	vst v6;
	v4 =	vmul.f32 v4, v9  }
0x6d: {  	[tilespmem:s26+$0x2930] =	vst v5;
	v3 =	vmul.f32 v3, v7  }
0x6e: {  	[tilespmem:s26+$0x2940] =	vst v4;
	v2 =	vmul.f32 v2, v8  }
0x6f: {  	s25 =	sadd.s32 $0x1, s25;
	[tilespmem:s26+$0x2950] =	vst v3;
	v1 =	vmul.f32 v1, v63  }
0x70: {  	p0 =	sne.s32 s25, $0x7D;
	[tilespmem:s26+$0x2960] =	vst v2  }
.Ltmp2:
0x71: {  	[tilespmem:s26+$0x2970] =	vst v1;
	(pc) =	sbr.rel @p0 .LBB2_4-.Ltmp2, $4  }
0x72: {  	[spmem:s5] =	stream.indirect.scatter.add.f32 [tilespmem:s20], [sflag:$0x2], $0x80, s6, s19, $0xb8;
	[tilespmem:$0x1D100] =	vst v63  }
0x73: {  	_ =	swait.ge [sflag:s17], $0x2800  }
0x74: {  	[sflag:s17] =	ssyncset.done $0x0  }
0x75: {  	[sflag:s17] =	ssyncadd.s32 $0xFFFFD800  }
0x76: {  	s23 =	sadd.s32 $0x1, s23  }
0x77: {  	s24 =	sshll.u32 s1, $0x6;
	[bflag:$0x0] =	sbarrier.arrive $0xFFFF;
	p0 =	sne.s32 s23, s15  }
.Ltmp3:
0x78: {  	s25 =	sshrl.u32 s8, $0x3;
	s24 =	sor.u32 $0x1C02, s24;
	(pc) =	sbr.rel @p0 .LBB2_1-.Ltmp3, $4  }
0x79: {  	[hbm:s14], [sflag:s24] =	dma.local [spmem:s25], $0x2800  }
0x7a: {  	_ =	swait.ge [sflag:s17], $0x2800  }
0x7b: {  	[sflag:s17] =	ssyncset.done $0x0  }
0x7c: {  	[sflag:s17] =	ssyncadd.s32 $0xFFFFD800  }
0x7d: {  	_ =	sfence.sel $0x180000  }
0x7e: {  	[bflag:$0x0] =	sbarrier.arrive $0xFFFF  }
0x7f: {  	p0 =	sne.s32 s1, $0x0;
	_ =	strace $0x90000047  }
0x80: {  	s0 =	sadd.s32 @!p0 $0x100000, s3;
	[bflag:$0x2] =	sbarrier.arrive $0xFFFF  }
0x81: {  	[sflag:s0] =	ssyncadd.tile.s32 @!p0 $0x1;
	_ =	shalt  }
.Lfunc_end2:
_tile_overlayer_lowered:
.L_overlay_start_2:
0x82: {  	(tag) =	ssettag $0x2  }
0x83: {  	s0 =	rddreg [dreg:$0x0];
	s2 =	stileid.u32  }
0x84: {  	s1 =	rddreg [dreg:$0x1];
	p0 =	sne.s32 s2, $0x0  }
0x85: {  	s3 =	rddreg [dreg:$0x2];
	[bflag:$0x3] =	sbarrier.arrive $0xFFFF;
	s2 =	simm.s32 @!p0 $0x1C02  }
0x86: {  	[timem:s3], [sflag:s2] =	dma.local @!p0 [hbm:s0], s1  }
0x87: {  	s0 =	simm.s32 @!p0 $0x2  }
0x88: {  	_ =	swait.ge @!p0 [sflag:s0], s1  }
0x89: {  	s1 =	ssub.s32 @!p0 $0x0, s1;
	[sflag:s0] =	ssyncset.done @!p0 $0x0  }
0x8a: {  	[sflag:s0] =	ssyncadd.s32 @!p0 s1  }
0x8b: {  	[bflag:$0x3] =	sbarrier.arrive $0xFFFF  }
0x8c: {  	_ =	shalt  }

</sc_bundles>
